<compile_context>
chip_gen: v7x
topology: tpu7x:2x2x1
jax: 0.10.2.dev20260603
libtpu: 0.0.44.dev20260713+nightly
codegen_flags: <defaults>
</compile_context>

<pallas_src>
import functools

import jax
import jax.numpy as jnp
from jax import lax
from jax.experimental import pallas as pl
from jax.experimental.pallas import tpu as pltpu
from jax.experimental.pallas import tpu_sc as plsc

MAX_THETA = 90.0
MAX_RADIUS = 300.0
THR_T = 3.0 / MAX_THETA
THR_R = 10.0 / MAX_RADIUS
W_CLS = 2.0
W_REG = 1.0

B, N, G = 16, 1000, 32
NP = 1024
NCHUNK = NP // 16
UNROLL = 4
GH = G // 2
PAD_INIT = 2.0e9


def _dyn_gather(vec, idx):
    dnums = lax.GatherDimensionNumbers(
        offset_dims=(), collapsed_slice_dims=(0,), start_index_map=(0,))
    return lax.gather(vec, idx[:, None], dnums, slice_sizes=(1,),
                      mode=lax.GatherScatterMode.PROMISE_IN_BOUNDS)


def _bfly(v, op):
    lane = lax.iota(jnp.int32, 16)
    for s in (8, 4, 2, 1):
        v = op(v, _dyn_gather(v, lane ^ s))
    return v


def _sc_match_kernel(big_h, small_h, gt_h, lossp_h,
                     raw_v, small_v, init0_v, init1_v,
                     par0_v, par1_v, tgt0_v, tgt1_v, valid_v, gtrow_v,
                     out16_v):
    cid = lax.axis_index("c")
    sid = lax.axis_index("s")
    wid = sid * 2 + cid
    b = wid // 2
    half = wid % 2
    g0 = half * GH

    lane = lax.iota(jnp.int32, 16)
    lane_f = lane.astype(jnp.float32)
    zf = jnp.zeros((16,), jnp.float32)
    ev = (lane % 8) * 2
    od = ev + 1

    def _deint(a_vec, b_vec):
        ta = _dyn_gather(a_vec, ev)
        tb = _dyn_gather(b_vec, ev)
        ra = _dyn_gather(a_vec, od)
        rb = _dyn_gather(b_vec, od)
        lo = lane < 8
        return jnp.where(lo, ta, tb), jnp.where(lo, ra, rb)

    pad_v = jnp.full((16,), PAD_INIT, jnp.float32)

    def _deint_row(dst0, dst1, tail_pad):
        def body(c, carry):
            a_vec = raw_v[pl.ds(c * 32, 16)]
            b_vec = raw_v[pl.ds(c * 32 + 16, 16)]
            t, r = _deint(a_vec, b_vec)
            dst0[pl.ds(c * 16, 16)] = t
            dst1[pl.ds(c * 16, 16)] = r
            return carry
        lax.fori_loop(0, (2 * N) // 32, body, 0)
        a_vec = raw_v[pl.ds(2 * N - 16, 16)]
        t, r = _deint(a_vec, a_vec)
        lo = lane < 8
        dst0[pl.ds(N - 8, 16)] = jnp.where(lo, t, tail_pad)
        dst1[pl.ds(N - 8, 16)] = jnp.where(lo, r, tail_pad)
        dst0[pl.ds(N + 8, 16)] = tail_pad
        dst1[pl.ds(N + 8, 16)] = tail_pad

    pltpu.sync_copy(big_h.at[2 * b], raw_v)
    _deint_row(init0_v, init1_v, pad_v)
    pltpu.sync_copy(big_h.at[2 * b + 1], raw_v)
    _deint_row(par0_v, par1_v, pad_v)

    def zero_body(c, carry):
        gtrow_v[pl.ds(c * 16, 16)] = zf
        return carry
    lax.fori_loop(0, NCHUNK, zero_body, 0)

    pltpu.sync_copy(small_h.at[2 * b], small_v)
    t, r = _deint(small_v[pl.ds(g0 * 2, 16)], small_v[pl.ds(g0 * 2 + 16, 16)])
    tgt0_v[...] = t
    tgt1_v[...] = r
    pltpu.sync_copy(small_h.at[2 * b + 1], small_v)
    pv, _ = _deint(small_v[pl.ds(g0 * 2, 16)], small_v[pl.ds(g0 * 2 + 16, 16)])
    valid_v[...] = jnp.where(pv != -1000.0, 1.0, 0.0)

    def gt_body(g, loss_acc):
        gidx = jnp.broadcast_to(g, (16,)).astype(jnp.int32)
        t0r = _dyn_gather(tgt0_v[...], gidx)
        t1r = _dyn_gather(tgt1_v[...], gidx)
        vgf = _dyn_gather(valid_v[...], gidx)
        t0 = (t0r + MAX_THETA) / (2.0 * MAX_THETA)
        t1 = (t1r + MAX_RADIUS) / (2.0 * MAX_RADIUS)

        def chunk_body(cc, carry):
            min_d2, min_idx, cost_sum, anyacc, nidx = carry
            for u in range(UNROLL):
                sl = pl.ds((cc * UNROLL + u) * 16, 16)
                i0 = init0_v[sl]
                i1 = init1_v[sl]
                td = jnp.abs(t0 - i0)
                rd = jnp.abs(t1 - i1)
                cond = jnp.logical_and(td < THR_T, rd < THR_R)
                d2 = rd * rd + td * td
                p0 = par0_v[sl]
                p1 = par1_v[sl]
                dt = t0 - p0
                dr = t1 - p1
                cost = dt * dt + dr * dr
                upd = d2 < min_d2
                min_d2 = jnp.where(upd, d2, min_d2)
                min_idx = jnp.where(upd, nidx, min_idx)
                cost_sum = cost_sum + jnp.where(cond, cost, 0.0)
                bits = jnp.where(cond, vgf, 0.0)
                gtrow_v[sl] = jnp.maximum(gtrow_v[sl], bits)
                anyacc = jnp.maximum(anyacc, bits)
                nidx = nidx + 16.0
            return (min_d2, min_idx, cost_sum, anyacc, nidx)

        init_carry = (jnp.full((16,), 3.0e38, jnp.float32), zf, zf, zf, lane_f)
        min_d2, min_idx, cost_sum, anyacc, _ = lax.fori_loop(
            0, NCHUNK // UNROLL, chunk_body, init_carry)

        has_pos = _bfly(anyacc, jnp.maximum)
        gmin = _bfly(min_d2, jnp.minimum)
        cand = jnp.where(min_d2 == gmin, min_idx, 1.0e9)
        nfb_f = _bfly(cand, jnp.minimum)
        nfb = nfb_f.astype(jnp.int32)[0]
        cfb = nfb // 16
        lfb = nfb % 16
        slf = pl.ds(cfb * 16, 16)

        lfb_v = jnp.broadcast_to(lfb, (16,))
        pf0 = _dyn_gather(par0_v[slf], lfb_v)
        pf1 = _dyn_gather(par1_v[slf], lfb_v)
        df0 = t0 - pf0
        df1 = t1 - pf1
        cost_fb = df0 * df0 + df1 * df1
        fb_contrib = jnp.where(lane == 0, cost_fb, 0.0)
        contrib = jnp.where(has_pos > 0.5, cost_sum, fb_contrib)
        loss_acc = loss_acc + vgf * contrib

        fbbits = jnp.where(lane == lfb, (1.0 - has_pos) * vgf, 0.0)
        gtrow_v[slf] = jnp.maximum(gtrow_v[slf], fbbits)
        return loss_acc

    loss_acc = lax.fori_loop(0, GH, gt_body, zf)
    loss_w = _bfly(loss_acc, lambda a, c: a + c) * 0.5
    out16_v[...] = jnp.where(lane == 0, loss_w, 0.0)
    pltpu.sync_copy(out16_v, lossp_h.at[wid])
    pltpu.sync_copy(gtrow_v, gt_h.at[b, half])


def _make_sc_call():
    mesh = plsc.VectorSubcoreMesh(core_axis_name="c", subcore_axis_name="s")
    return functools.partial(
        pl.kernel,
        out_type=[
            jax.ShapeDtypeStruct((B, 2, NP), jnp.float32),
            jax.ShapeDtypeStruct((2 * B, 16), jnp.float32),
        ],
        mesh=mesh,
        scratch_types=[
            pltpu.VMEM((2 * N,), jnp.float32),
            pltpu.VMEM((2 * G,), jnp.float32),
            pltpu.VMEM((NP,), jnp.float32),
            pltpu.VMEM((NP,), jnp.float32),
            pltpu.VMEM((NP,), jnp.float32),
            pltpu.VMEM((NP,), jnp.float32),
            pltpu.VMEM((GH,), jnp.float32),
            pltpu.VMEM((GH,), jnp.float32),
            pltpu.VMEM((GH,), jnp.float32),
            pltpu.VMEM((NP,), jnp.float32),
            pltpu.VMEM((16,), jnp.float32),
        ],
    )(_sc_match_kernel)


def _tc_focal_kernel(l0_ref, l1_ref, h_ref, lossp_ref, cls_out, reg_out):
    l0 = l0_ref[...]
    l1 = l1_ref[...]
    h = h_ref[...]
    gt = (h[:, 0, :N] + h[:, 1, :N]) > 0.5
    m = jnp.maximum(l0, l1)
    e0 = jnp.exp(l0 - m)
    e1 = jnp.exp(l1 - m)
    z = e0 + e1
    logz = jnp.log(z) + m
    lp0 = l0 - logz
    lp1 = l1 - logz
    p0 = e0 / z
    p1 = e1 / z
    pick_lp = jnp.where(gt, lp1, lp0)
    pick_p = jnp.where(gt, p1, p0)
    om = 1.0 - pick_p
    focal = om * om * pick_lp
    loss_cls = -(jnp.sum(focal) / (B * N))
    loss_reg = jnp.sum(lossp_ref[...]) / B
    cls_out[...] = jnp.reshape(loss_cls * W_CLS, (1, 1))
    reg_out[...] = jnp.reshape(loss_reg * W_REG, (1, 1))


@jax.jit
def kernel(cls_logits, params, params_init, tgt_params, pts):
    big = jnp.stack([params_init.reshape(B, 2 * N),
                     params.reshape(B, 2 * N)], axis=1).reshape(2 * B, 2 * N)
    small = jnp.stack([tgt_params.reshape(B, 2 * G),
                       pts.reshape(B, 2 * G)], axis=1).reshape(2 * B, 2 * G)

    gt_halves, lossp = _make_sc_call()(big, small)

    cls_l, reg_l = pl.pallas_call(
        _tc_focal_kernel,
        out_shape=[
            jax.ShapeDtypeStruct((1, 1), jnp.float32),
            jax.ShapeDtypeStruct((1, 1), jnp.float32),
        ],
    )(cls_logits[..., 0], cls_logits[..., 1], gt_halves, lossp)
    return (cls_l[0, 0], reg_l[0, 0])

# --- scband reference (transcript-rebuilt; emitter-appended) ---
"""Pipeline reference for scband-loss-function-7275674600078 (READ-ONLY COPY).

The authoritative reference and input builder live on the scoring server;
editing this copy changes nothing except your own understanding.
"""

import jax, jax.numpy as jnp
import numpy as np

MAX_THETA = 90.0
MAX_RADIUS = 300.0
THR_T = 3.0 / MAX_THETA
THR_R = 10.0 / MAX_RADIUS
W_CLS = 2.0
W_REG = 1.0
GAMMA = 2.0


def setup_inputs(seed: int = 0) -> dict:
    key = jax.random.key(seed)
    k1, k2, k3, k4, k5 = jax.random.split(key, 5)
    B, N, G = 16, 1000, 32
    return {
        "cls_logits": jax.random.normal(k1, (B, N, 2), dtype=jnp.float32),
        "params": jax.random.uniform(k2, (B, N, 2), dtype=jnp.float32),
        "params_init": jax.random.uniform(k3, (B, N, 2), dtype=jnp.float32),
        "tgt_params": jax.random.uniform(k4, (B, G, 2), dtype=jnp.float32),
        "pts": jax.random.normal(k5, (B, G, 2), dtype=jnp.float32),
    }


def softmax_focal_loss(logits, labels, gamma=GAMMA):
    scores = jax.nn.softmax(logits, axis=-1)
    factor = (1.0 - scores) ** gamma
    log_score = factor * jax.nn.log_softmax(logits, axis=-1)
    picked = jnp.take_along_axis(log_score, labels[..., None], axis=-1)[..., 0]
    return -jnp.mean(picked)


def reference(cls_logits, params, params_init, tgt_params, pts):
    B, N = params.shape[0], params.shape[1]
    G = tgt_params.shape[1]
    valid = pts[..., 0] != -1000.0
    t0 = (tgt_params[..., 0] + MAX_THETA) / (2.0 * MAX_THETA)
    t1 = (tgt_params[..., 1] + MAX_RADIUS) / (2.0 * MAX_RADIUS)
    tgt_norm = jnp.stack([t0, t1], axis=-1)
    gt_prob = jnp.zeros((B, N), dtype=jnp.int32)
    loss_reg = jnp.asarray(0.0, dtype=jnp.float32)
    line_ids = jnp.arange(N)
    for b in range(B):
        valid_b = valid[b]
        tgt_b = tgt_norm[b]
        init_b = params_init[b]
        src_b = params[b]
        theta_diff = jnp.abs(tgt_b[:, 0][None, :] - init_b[:, 0][:, None])
        radius_diff = jnp.abs(tgt_b[:, 1][None, :] - init_b[:, 1][:, None])

        def body(gt_idx, carry):
            gt_row, loss = carry
            cond1 = theta_diff[:, gt_idx] < THR_T
            cond2 = radius_diff[:, gt_idx] < THR_R
            cond = jnp.logical_and(cond1, cond2)
            has_pos = jnp.any(cond)
            fallback = jnp.argmin(
                radius_diff[:, gt_idx] ** 2 + theta_diff[:, gt_idx] ** 2)
            line_mask = jnp.where(has_pos, cond, line_ids == fallback)
            is_valid = valid_b[gt_idx]
            active = jnp.logical_and(line_mask, is_valid)
            gt_row = jnp.where(active, 1, gt_row)
            dist = tgt_b[gt_idx] - src_b
            cost = (dist ** 2).mean(-1)
            contrib = jnp.where(line_mask, cost, 0.0).sum()
            loss = loss + jnp.where(is_valid, contrib, 0.0)
            return (gt_row, loss)

        gt_row_b, loss_reg = jax.lax.fori_loop(0, G, body, (gt_prob[b], loss_reg))
        gt_prob = gt_prob.at[b].set(gt_row_b)
    loss_reg = loss_reg / B
    loss_cls = softmax_focal_loss(cls_logits, gt_prob)
    return (loss_cls * W_CLS, loss_reg * W_REG)

if __name__ == "__main__":
    import jax
    _d = setup_inputs()
    print(jax.jit(kernel)(*tuple(_d.values())))

</pallas_src>

<mosaic_0001>
#map = affine_map<(d0, d1) -> (0, 0)>
#map1 = affine_map<(d0, d1) -> (0, 0, 0)>
module attributes {stable_mosaic.version = 14 : i64} {
  func.func @_sc_match_kernel(%arg0: i32, %arg1: i32, %arg2: memref<32x2000xf32, #tpu.memory_space<hbm>>, %arg3: memref<32x64xf32, #tpu.memory_space<hbm>>, %arg4: memref<16x2x1024xf32, #tpu.memory_space<hbm>>, %arg5: memref<32x16xf32, #tpu.memory_space<hbm>>, %arg6: memref<2000xf32, #tpu.memory_space<vmem>>, %arg7: memref<64xf32, #tpu.memory_space<vmem>>, %arg8: memref<1024xf32, #tpu.memory_space<vmem>>, %arg9: memref<1024xf32, #tpu.memory_space<vmem>>, %arg10: memref<1024xf32, #tpu.memory_space<vmem>>, %arg11: memref<1024xf32, #tpu.memory_space<vmem>>, %arg12: memref<16xf32, #tpu.memory_space<vmem>>, %arg13: memref<16xf32, #tpu.memory_space<vmem>>, %arg14: memref<16xf32, #tpu.memory_space<vmem>>, %arg15: memref<1024xf32, #tpu.memory_space<vmem>>, %arg16: memref<16xf32, #tpu.memory_space<vmem>>) attributes {dimension_semantics = [#tpu.dimension_semantics<core_parallel>, #tpu.dimension_semantics<subcore_parallel>], iteration_bounds = array<i64: 2, 16>, scalar_prefetch = 0 : i64, scratch_operands = 11 : i64, tpu.core_type = #tpu.core_type<sc_vector_subcore>, window_params = [{transform_indices = #map}, {transform_indices = #map}, {transform_indices = #map1}, {transform_indices = #map}]} {
    %mul3A = arith.constant 2 : i32
    %mul3A_0 = arith.muli %arg1, %mul3A : i32
    %add3A = arith.addi %mul3A_0, %arg0 : i32
    %jit3A = arith.constant 2 : i32
    %div3A = arith.divsi %add3A, %jit3A : i32
    %sign3A = arith.constant 0 : i32
    %sign3A_1 = arith.cmpi sgt, %add3A, %sign3A : i32
    %sign3A_2 = arith.extui %sign3A_1 : i1 to i32
    %sign3A_3 = arith.constant 0 : i32
    %sign3A_4 = arith.cmpi slt, %add3A, %sign3A_3 : i32
    %sign3A_5 = arith.extui %sign3A_4 : i1 to i32
    %sign3A_6 = arith.subi %sign3A_2, %sign3A_5 : i32
    %sign3A_7 = arith.constant 0 : i32
    %sign3A_8 = arith.cmpi sgt, %jit3A, %sign3A_7 : i32
    %sign3A_9 = arith.extui %sign3A_8 : i1 to i32
    %sign3A_10 = arith.constant 0 : i32
    %sign3A_11 = arith.cmpi slt, %jit3A, %sign3A_10 : i32
    %sign3A_12 = arith.extui %sign3A_11 : i1 to i32
    %sign3A_13 = arith.subi %sign3A_9, %sign3A_12 : i32
    %ne3A = arith.cmpi ne, %sign3A_6, %sign3A_13 : i32
    %rem3A = arith.remsi %add3A, %jit3A : i32
    %ne3A_14 = arith.constant 0 : i32
    %ne3A_15 = arith.cmpi ne, %rem3A, %ne3A_14 : i32
    %and3A = arith.andi %ne3A, %ne3A_15 : i1
    %sub3A = arith.constant 1 : i32
    %sub3A_16 = arith.subi %div3A, %sub3A : i32
    %select_n3A = arith.select %and3A, %sub3A_16, %div3A : i32
    %jit3A_17 = arith.constant 2 : i32
    %eq3A = arith.constant 0 : i32
    %eq3A_18 = arith.cmpi eq, %jit3A_17, %eq3A : i32
    %jit3A_19 = arith.constant 1 : i32
    %select_n3A_20 = arith.select %eq3A_18, %jit3A_19, %jit3A_17 : i32
    %rem3A_21 = arith.remsi %add3A, %select_n3A_20 : i32
    %ne3A_22 = arith.constant 0 : i32
    %ne3A_23 = arith.cmpi ne, %rem3A_21, %ne3A_22 : i32
    %lt3A = arith.constant 0 : i32
    %lt3A_24 = arith.cmpi slt, %rem3A_21, %lt3A : i32
    %lt3A_25 = arith.constant 0 : i32
    %lt3A_26 = arith.cmpi slt, %select_n3A_20, %lt3A_25 : i32
    %ne3A_27 = arith.xori %lt3A_24, %lt3A_26 : i1
    %and3A_28 = arith.andi %ne3A_27, %ne3A_23 : i1
    %add3A_29 = arith.addi %rem3A_21, %select_n3A_20 : i32
    %select_n3A_30 = arith.select %and3A_28, %add3A_29, %rem3A_21 : i32
    %mul3A_31 = arith.constant 16 : i32
    %mul3A_32 = arith.muli %select_n3A_30, %mul3A_31 : i32
    %iota3A = tpu.iota {dimensions = array<i32: 0>} : vector<16xi32>
    %convert_element_type3A = arith.sitofp %iota3A : vector<16xi32> to vector<16xf32>
    %broadcast_in_dim3A = arith.constant 0.000000e+00 : f32
    %broadcast_in_dim3A_33 = vector.broadcast %broadcast_in_dim3A : f32 to vector<16xf32>
    %jit3A_34 = arith.constant 8 : i32
    %eq3A_35 = arith.constant 0 : i32
    %eq3A_36 = arith.cmpi eq, %jit3A_34, %eq3A_35 : i32
    %jit3A_37 = arith.constant 1 : i32
    %select_n3A_38 = arith.select %eq3A_36, %jit3A_37, %jit3A_34 : i32
    %rem3A_39 = vector.broadcast %select_n3A_38 : i32 to vector<16xi32>
    %rem3A_40 = arith.remsi %iota3A, %rem3A_39 : vector<16xi32>
    %ne3A_41 = arith.constant 0 : i32
    %ne3A_42 = vector.broadcast %ne3A_41 : i32 to vector<16xi32>
    %ne3A_43 = arith.cmpi ne, %rem3A_40, %ne3A_42 : vector<16xi32>
    %lt3A_44 = arith.constant 0 : i32
    %lt3A_45 = vector.broadcast %lt3A_44 : i32 to vector<16xi32>
    %lt3A_46 = arith.cmpi slt, %rem3A_40, %lt3A_45 : vector<16xi32>
    %lt3A_47 = arith.constant 0 : i32
    %lt3A_48 = arith.cmpi slt, %select_n3A_38, %lt3A_47 : i32
    %ne3A_49 = vector.broadcast %lt3A_48 : i1 to vector<16xi1>
    %ne3A_50 = vector.broadcast %ne3A_49 : vector<16xi1> to vector<16xi1>
    %ne3A_51 = arith.xori %lt3A_46, %ne3A_50 : vector<16xi1>
    %and3A_52 = arith.andi %ne3A_51, %ne3A_43 : vector<16xi1>
    %add3A_53 = vector.broadcast %select_n3A_38 : i32 to vector<16xi32>
    %add3A_54 = arith.addi %rem3A_40, %add3A_53 : vector<16xi32>
    %select_n3A_55 = arith.select %and3A_52, %add3A_54, %rem3A_40 : vector<16xi1>, vector<16xi32>
    %mul3A_56 = arith.constant 2 : i32
    %mul3A_57 = vector.broadcast %mul3A_56 : i32 to vector<16xi32>
    %mul3A_58 = arith.muli %select_n3A_55, %mul3A_57 : vector<16xi32>
    %add3A_59 = arith.constant 1 : i32
    %add3A_60 = vector.broadcast %add3A_59 : i32 to vector<16xi32>
    %add3A_61 = arith.addi %mul3A_58, %add3A_60 : vector<16xi32>
    %broadcast_in_dim3A_62 = arith.constant 2.000000e+09 : f32
    %broadcast_in_dim3A_63 = vector.broadcast %broadcast_in_dim3A_62 : f32 to vector<16xf32>
    %mul3A_64 = arith.constant 2 : i32
    %mul3A_65 = arith.muli %mul3A_64, %select_n3A : i32
    "tpu.region"() ({
      %run_scoped3A = tpu.sem_alloc : memref<!tpu.dma_semaphore, #tpu.memory_space<semaphore_mem>>
      %dma_start3A = arith.constant 0 : i32
      %dma_start3A_297 = tpu.memref_slice %arg2[%mul3A_65, %dma_start3A] : memref<32x2000xf32, #tpu.memory_space<hbm>> -> memref<1x2000xf32, #tpu.memory_space<hbm>>
      %dma_start3A_298 = tpu.memref_squeeze %dma_start3A_297 : memref<1x2000xf32, #tpu.memory_space<hbm>> -> memref<2000xf32, #tpu.memory_space<hbm>>
      %dma_start3A_299 = arith.constant 0 : i32
      %dma_start3A_300 = tpu.memref_slice %arg2[%mul3A_65, %dma_start3A_299] : memref<32x2000xf32, #tpu.memory_space<hbm>> -> memref<1x2000xf32, #tpu.memory_space<hbm>>
      %dma_start3A_301 = tpu.memref_squeeze %dma_start3A_300 : memref<1x2000xf32, #tpu.memory_space<hbm>> -> memref<2000xf32, #tpu.memory_space<hbm>>
      tpu.enqueue_dma source(%dma_start3A_301 : memref<2000xf32, #tpu.memory_space<hbm>>) target(%arg6 : memref<2000xf32, #tpu.memory_space<vmem>>) target_semaphore(%run_scoped3A : memref<!tpu.dma_semaphore, #tpu.memory_space<semaphore_mem>>)
      %dma_wait3A = arith.constant 0 : i32
      %dma_wait3A_302 = tpu.memref_slice %arg2[%mul3A_65, %dma_wait3A] : memref<32x2000xf32, #tpu.memory_space<hbm>> -> memref<1x2000xf32, #tpu.memory_space<hbm>>
      %dma_wait3A_303 = tpu.memref_squeeze %dma_wait3A_302 : memref<1x2000xf32, #tpu.memory_space<hbm>> -> memref<2000xf32, #tpu.memory_space<hbm>>
      %dma_wait3A_304 = arith.constant 0 : i32
      %dma_wait3A_305 = tpu.memref_slice %arg2[%mul3A_65, %dma_wait3A_304] : memref<32x2000xf32, #tpu.memory_space<hbm>> -> memref<1x2000xf32, #tpu.memory_space<hbm>>
      %dma_wait3A_306 = tpu.memref_squeeze %dma_wait3A_305 : memref<1x2000xf32, #tpu.memory_space<hbm>> -> memref<2000xf32, #tpu.memory_space<hbm>>
      tpu.wait_dma2 semaphore(%run_scoped3A : memref<!tpu.dma_semaphore, #tpu.memory_space<semaphore_mem>>) src(%dma_wait3A_306 : memref<2000xf32, #tpu.memory_space<hbm>>) dst(%arg6 : memref<2000xf32, #tpu.memory_space<vmem>>)
      tpu.yield
    }) : () -> ()
    %scan3A = arith.constant 0 : i32
    %scan3A_66 = arith.constant 0 : i32
    %scan3A_67 = arith.constant 62 : i32
    %scan3A_68 = arith.addi %scan3A_66, %scan3A_67 : i32
    %scan3A_69 = arith.constant 1 : i32
    scf.for %scan3A_297 = %scan3A_66 to %scan3A_68 step %scan3A_69  : i32 {
      %mul3A_298 = arith.constant 32 : i32
      %mul3A_299 = arith.muli %scan3A_297, %mul3A_298 : i32
      %get3A_300 = arith.index_cast %mul3A_299 : i32 to index
      %get3A_301 = tpu.vector_load %arg6[%get3A_300] {strides = array<i32>} : memref<2000xf32, #tpu.memory_space<vmem>>, vector<16xf32>,
      %get3A_302 = vector.shape_cast %get3A_301 : vector<16xf32> to vector<16xf32>
      %mul3A_303 = arith.constant 32 : i32
      %mul3A_304 = arith.muli %scan3A_297, %mul3A_303 : i32
      %add3A_305 = arith.constant 16 : i32
      %add3A_306 = arith.addi %mul3A_304, %add3A_305 : i32
      %get3A_307 = arith.index_cast %add3A_306 : i32 to index
      %get3A_308 = tpu.vector_load %arg6[%get3A_307] {strides = array<i32>} : memref<2000xf32, #tpu.memory_space<vmem>>, vector<16xf32>,
      %get3A_309 = vector.shape_cast %get3A_308 : vector<16xf32> to vector<16xf32>
      %broadcast_in_dim3A_310 = vector.shape_cast %mul3A_58 : vector<16xi32> to vector<16x1xi32>
      %gather3A_311 = vector.shape_cast %broadcast_in_dim3A_310 : vector<16x1xi32> to vector<16xi32>
      %gather3A_312 = tpu.dynamic_gather %get3A_302[%gather3A_311] in [0] : vector<16xf32>, vector<16xi32> -> vector<16xf32>
      %broadcast_in_dim3A_313 = vector.shape_cast %mul3A_58 : vector<16xi32> to vector<16x1xi32>
      %gather3A_314 = vector.shape_cast %broadcast_in_dim3A_313 : vector<16x1xi32> to vector<16xi32>
      %gather3A_315 = tpu.dynamic_gather %get3A_309[%gather3A_314] in [0] : vector<16xf32>, vector<16xi32> -> vector<16xf32>
      %broadcast_in_dim3A_316 = vector.shape_cast %add3A_61 : vector<16xi32> to vector<16x1xi32>
      %gather3A_317 = vector.shape_cast %broadcast_in_dim3A_316 : vector<16x1xi32> to vector<16xi32>
      %gather3A_318 = tpu.dynamic_gather %get3A_302[%gather3A_317] in [0] : vector<16xf32>, vector<16xi32> -> vector<16xf32>
      %broadcast_in_dim3A_319 = vector.shape_cast %add3A_61 : vector<16xi32> to vector<16x1xi32>
      %gather3A_320 = vector.shape_cast %broadcast_in_dim3A_319 : vector<16x1xi32> to vector<16xi32>
      %gather3A_321 = tpu.dynamic_gather %get3A_309[%gather3A_320] in [0] : vector<16xf32>, vector<16xi32> -> vector<16xf32>
      %lt3A_322 = arith.constant 8 : i32
      %lt3A_323 = vector.broadcast %lt3A_322 : i32 to vector<16xi32>
      %lt3A_324 = arith.cmpi slt, %iota3A, %lt3A_323 : vector<16xi32>
      %select_n3A_325 = arith.select %lt3A_324, %gather3A_312, %gather3A_315 : vector<16xi1>, vector<16xf32>
      %select_n3A_326 = arith.select %lt3A_324, %gather3A_318, %gather3A_321 : vector<16xi1>, vector<16xf32>
      %mul3A_327 = arith.constant 16 : i32
      %mul3A_328 = arith.muli %scan3A_297, %mul3A_327 : i32
      %swap3A_329 = arith.index_cast %mul3A_328 : i32 to index
      %swap3A_330 = tpu.vector_load %arg8[%swap3A_329] {strides = array<i32>} : memref<1024xf32, #tpu.memory_space<vmem>>, vector<16xf32>,
      %swap3A_331 = vector.shape_cast %swap3A_330 : vector<16xf32> to vector<16xf32>
      %swap3A_332 = vector.shape_cast %select_n3A_325 : vector<16xf32> to vector<16xf32>
      tpu.vector_store %arg8[%swap3A_329], %swap3A_332 {strides = array<i32>} : memref<1024xf32, #tpu.memory_space<vmem>>, vector<16xf32>,
      %mul3A_333 = arith.constant 16 : i32
      %mul3A_334 = arith.muli %scan3A_297, %mul3A_333 : i32
      %swap3A_335 = arith.index_cast %mul3A_334 : i32 to index
      %swap3A_336 = tpu.vector_load %arg9[%swap3A_335] {strides = array<i32>} : memref<1024xf32, #tpu.memory_space<vmem>>, vector<16xf32>,
      %swap3A_337 = vector.shape_cast %swap3A_336 : vector<16xf32> to vector<16xf32>
      %swap3A_338 = vector.shape_cast %select_n3A_326 : vector<16xf32> to vector<16xf32>
      tpu.vector_store %arg9[%swap3A_335], %swap3A_338 {strides = array<i32>} : memref<1024xf32, #tpu.memory_space<vmem>>, vector<16xf32>,
    }
    %scan3A_70 = arith.constant 62 : i32
    %get3A = arith.constant 1984 : index
    %get3A_71 = tpu.vector_load %arg6[%get3A] {strides = array<i32>} : memref<2000xf32, #tpu.memory_space<vmem>>, vector<16xf32>,
    %get3A_72 = vector.shape_cast %get3A_71 : vector<16xf32> to vector<16xf32>
    %broadcast_in_dim3A_73 = vector.shape_cast %mul3A_58 : vector<16xi32> to vector<16x1xi32>
    %gather3A = vector.shape_cast %broadcast_in_dim3A_73 : vector<16x1xi32> to vector<16xi32>
    %gather3A_74 = tpu.dynamic_gather %get3A_72[%gather3A] in [0] : vector<16xf32>, vector<16xi32> -> vector<16xf32>
    %broadcast_in_dim3A_75 = vector.shape_cast %mul3A_58 : vector<16xi32> to vector<16x1xi32>
    %gather3A_76 = vector.shape_cast %broadcast_in_dim3A_75 : vector<16x1xi32> to vector<16xi32>
    %gather3A_77 = tpu.dynamic_gather %get3A_72[%gather3A_76] in [0] : vector<16xf32>, vector<16xi32> -> vector<16xf32>
    %broadcast_in_dim3A_78 = vector.shape_cast %add3A_61 : vector<16xi32> to vector<16x1xi32>
    %gather3A_79 = vector.shape_cast %broadcast_in_dim3A_78 : vector<16x1xi32> to vector<16xi32>
    %gather3A_80 = tpu.dynamic_gather %get3A_72[%gather3A_79] in [0] : vector<16xf32>, vector<16xi32> -> vector<16xf32>
    %broadcast_in_dim3A_81 = vector.shape_cast %add3A_61 : vector<16xi32> to vector<16x1xi32>
    %gather3A_82 = vector.shape_cast %broadcast_in_dim3A_81 : vector<16x1xi32> to vector<16xi32>
    %gather3A_83 = tpu.dynamic_gather %get3A_72[%gather3A_82] in [0] : vector<16xf32>, vector<16xi32> -> vector<16xf32>
    %lt3A_84 = arith.constant 8 : i32
    %lt3A_85 = vector.broadcast %lt3A_84 : i32 to vector<16xi32>
    %lt3A_86 = arith.cmpi slt, %iota3A, %lt3A_85 : vector<16xi32>
    %select_n3A_87 = arith.select %lt3A_86, %gather3A_74, %gather3A_77 : vector<16xi1>, vector<16xf32>
    %select_n3A_88 = arith.select %lt3A_86, %gather3A_80, %gather3A_83 : vector<16xi1>, vector<16xf32>
    %lt3A_89 = arith.constant 8 : i32
    %lt3A_90 = vector.broadcast %lt3A_89 : i32 to vector<16xi32>
    %lt3A_91 = arith.cmpi slt, %iota3A, %lt3A_90 : vector<16xi32>
    %select_n3A_92 = arith.select %lt3A_91, %select_n3A_87, %broadcast_in_dim3A_63 : vector<16xi1>, vector<16xf32>
    %swap3A = arith.constant 992 : index
    %swap3A_93 = tpu.vector_load %arg8[%swap3A] {strides = array<i32>} : memref<1024xf32, #tpu.memory_space<vmem>>, vector<16xf32>,
    %swap3A_94 = vector.shape_cast %swap3A_93 : vector<16xf32> to vector<16xf32>
    %swap3A_95 = vector.shape_cast %select_n3A_92 : vector<16xf32> to vector<16xf32>
    tpu.vector_store %arg8[%swap3A], %swap3A_95 {strides = array<i32>} : memref<1024xf32, #tpu.memory_space<vmem>>, vector<16xf32>,
    %select_n3A_96 = arith.select %lt3A_91, %select_n3A_88, %broadcast_in_dim3A_63 : vector<16xi1>, vector<16xf32>
    %swap3A_97 = arith.constant 992 : index
    %swap3A_98 = tpu.vector_load %arg9[%swap3A_97] {strides = array<i32>} : memref<1024xf32, #tpu.memory_space<vmem>>, vector<16xf32>,
    %swap3A_99 = vector.shape_cast %swap3A_98 : vector<16xf32> to vector<16xf32>
    %swap3A_100 = vector.shape_cast %select_n3A_96 : vector<16xf32> to vector<16xf32>
    tpu.vector_store %arg9[%swap3A_97], %swap3A_100 {strides = array<i32>} : memref<1024xf32, #tpu.memory_space<vmem>>, vector<16xf32>,
    %swap3A_101 = arith.constant 1008 : index
    %swap3A_102 = tpu.vector_load %arg8[%swap3A_101] {strides = array<i32>} : memref<1024xf32, #tpu.memory_space<vmem>>, vector<16xf32>,
    %swap3A_103 = vector.shape_cast %swap3A_102 : vector<16xf32> to vector<16xf32>
    %swap3A_104 = vector.shape_cast %broadcast_in_dim3A_63 : vector<16xf32> to vector<16xf32>
    tpu.vector_store %arg8[%swap3A_101], %swap3A_104 {strides = array<i32>} : memref<1024xf32, #tpu.memory_space<vmem>>, vector<16xf32>,
    %swap3A_105 = arith.constant 1008 : index
    %swap3A_106 = tpu.vector_load %arg9[%swap3A_105] {strides = array<i32>} : memref<1024xf32, #tpu.memory_space<vmem>>, vector<16xf32>,
    %swap3A_107 = vector.shape_cast %swap3A_106 : vector<16xf32> to vector<16xf32>
    %swap3A_108 = vector.shape_cast %broadcast_in_dim3A_63 : vector<16xf32> to vector<16xf32>
    tpu.vector_store %arg9[%swap3A_105], %swap3A_108 {strides = array<i32>} : memref<1024xf32, #tpu.memory_space<vmem>>, vector<16xf32>,
    %mul3A_109 = arith.constant 2 : i32
    %mul3A_110 = arith.muli %mul3A_109, %select_n3A : i32
    %add3A_111 = arith.constant 1 : i32
    %add3A_112 = arith.addi %mul3A_110, %add3A_111 : i32
    "tpu.region"() ({
      %run_scoped3A = tpu.sem_alloc : memref<!tpu.dma_semaphore, #tpu.memory_space<semaphore_mem>>
      %dma_start3A = arith.constant 0 : i32
      %dma_start3A_297 = tpu.memref_slice %arg2[%add3A_112, %dma_start3A] : memref<32x2000xf32, #tpu.memory_space<hbm>> -> memref<1x2000xf32, #tpu.memory_space<hbm>>
      %dma_start3A_298 = tpu.memref_squeeze %dma_start3A_297 : memref<1x2000xf32, #tpu.memory_space<hbm>> -> memref<2000xf32, #tpu.memory_space<hbm>>
      %dma_start3A_299 = arith.constant 0 : i32
      %dma_start3A_300 = tpu.memref_slice %arg2[%add3A_112, %dma_start3A_299] : memref<32x2000xf32, #tpu.memory_space<hbm>> -> memref<1x2000xf32, #tpu.memory_space<hbm>>
      %dma_start3A_301 = tpu.memref_squeeze %dma_start3A_300 : memref<1x2000xf32, #tpu.memory_space<hbm>> -> memref<2000xf32, #tpu.memory_space<hbm>>
      tpu.enqueue_dma source(%dma_start3A_301 : memref<2000xf32, #tpu.memory_space<hbm>>) target(%arg6 : memref<2000xf32, #tpu.memory_space<vmem>>) target_semaphore(%run_scoped3A : memref<!tpu.dma_semaphore, #tpu.memory_space<semaphore_mem>>)
      %dma_wait3A = arith.constant 0 : i32
      %dma_wait3A_302 = tpu.memref_slice %arg2[%add3A_112, %dma_wait3A] : memref<32x2000xf32, #tpu.memory_space<hbm>> -> memref<1x2000xf32, #tpu.memory_space<hbm>>
      %dma_wait3A_303 = tpu.memref_squeeze %dma_wait3A_302 : memref<1x2000xf32, #tpu.memory_space<hbm>> -> memref<2000xf32, #tpu.memory_space<hbm>>
      %dma_wait3A_304 = arith.constant 0 : i32
      %dma_wait3A_305 = tpu.memref_slice %arg2[%add3A_112, %dma_wait3A_304] : memref<32x2000xf32, #tpu.memory_space<hbm>> -> memref<1x2000xf32, #tpu.memory_space<hbm>>
      %dma_wait3A_306 = tpu.memref_squeeze %dma_wait3A_305 : memref<1x2000xf32, #tpu.memory_space<hbm>> -> memref<2000xf32, #tpu.memory_space<hbm>>
      tpu.wait_dma2 semaphore(%run_scoped3A : memref<!tpu.dma_semaphore, #tpu.memory_space<semaphore_mem>>) src(%dma_wait3A_306 : memref<2000xf32, #tpu.memory_space<hbm>>) dst(%arg6 : memref<2000xf32, #tpu.memory_space<vmem>>)
      tpu.yield
    }) : () -> ()
    %scan3A_113 = arith.constant 0 : i32
    %scan3A_114 = arith.constant 0 : i32
    %scan3A_115 = arith.constant 62 : i32
    %scan3A_116 = arith.addi %scan3A_114, %scan3A_115 : i32
    %scan3A_117 = arith.constant 1 : i32
    scf.for %scan3A_297 = %scan3A_114 to %scan3A_116 step %scan3A_117  : i32 {
      %mul3A_298 = arith.constant 32 : i32
      %mul3A_299 = arith.muli %scan3A_297, %mul3A_298 : i32
      %get3A_300 = arith.index_cast %mul3A_299 : i32 to index
      %get3A_301 = tpu.vector_load %arg6[%get3A_300] {strides = array<i32>} : memref<2000xf32, #tpu.memory_space<vmem>>, vector<16xf32>,
      %get3A_302 = vector.shape_cast %get3A_301 : vector<16xf32> to vector<16xf32>
      %mul3A_303 = arith.constant 32 : i32
      %mul3A_304 = arith.muli %scan3A_297, %mul3A_303 : i32
      %add3A_305 = arith.constant 16 : i32
      %add3A_306 = arith.addi %mul3A_304, %add3A_305 : i32
      %get3A_307 = arith.index_cast %add3A_306 : i32 to index
      %get3A_308 = tpu.vector_load %arg6[%get3A_307] {strides = array<i32>} : memref<2000xf32, #tpu.memory_space<vmem>>, vector<16xf32>,
      %get3A_309 = vector.shape_cast %get3A_308 : vector<16xf32> to vector<16xf32>
      %broadcast_in_dim3A_310 = vector.shape_cast %mul3A_58 : vector<16xi32> to vector<16x1xi32>
      %gather3A_311 = vector.shape_cast %broadcast_in_dim3A_310 : vector<16x1xi32> to vector<16xi32>
      %gather3A_312 = tpu.dynamic_gather %get3A_302[%gather3A_311] in [0] : vector<16xf32>, vector<16xi32> -> vector<16xf32>
      %broadcast_in_dim3A_313 = vector.shape_cast %mul3A_58 : vector<16xi32> to vector<16x1xi32>
      %gather3A_314 = vector.shape_cast %broadcast_in_dim3A_313 : vector<16x1xi32> to vector<16xi32>
      %gather3A_315 = tpu.dynamic_gather %get3A_309[%gather3A_314] in [0] : vector<16xf32>, vector<16xi32> -> vector<16xf32>
      %broadcast_in_dim3A_316 = vector.shape_cast %add3A_61 : vector<16xi32> to vector<16x1xi32>
      %gather3A_317 = vector.shape_cast %broadcast_in_dim3A_316 : vector<16x1xi32> to vector<16xi32>
      %gather3A_318 = tpu.dynamic_gather %get3A_302[%gather3A_317] in [0] : vector<16xf32>, vector<16xi32> -> vector<16xf32>
      %broadcast_in_dim3A_319 = vector.shape_cast %add3A_61 : vector<16xi32> to vector<16x1xi32>
      %gather3A_320 = vector.shape_cast %broadcast_in_dim3A_319 : vector<16x1xi32> to vector<16xi32>
      %gather3A_321 = tpu.dynamic_gather %get3A_309[%gather3A_320] in [0] : vector<16xf32>, vector<16xi32> -> vector<16xf32>
      %lt3A_322 = arith.constant 8 : i32
      %lt3A_323 = vector.broadcast %lt3A_322 : i32 to vector<16xi32>
      %lt3A_324 = arith.cmpi slt, %iota3A, %lt3A_323 : vector<16xi32>
      %select_n3A_325 = arith.select %lt3A_324, %gather3A_312, %gather3A_315 : vector<16xi1>, vector<16xf32>
      %select_n3A_326 = arith.select %lt3A_324, %gather3A_318, %gather3A_321 : vector<16xi1>, vector<16xf32>
      %mul3A_327 = arith.constant 16 : i32
      %mul3A_328 = arith.muli %scan3A_297, %mul3A_327 : i32
      %swap3A_329 = arith.index_cast %mul3A_328 : i32 to index
      %swap3A_330 = tpu.vector_load %arg10[%swap3A_329] {strides = array<i32>} : memref<1024xf32, #tpu.memory_space<vmem>>, vector<16xf32>,
      %swap3A_331 = vector.shape_cast %swap3A_330 : vector<16xf32> to vector<16xf32>
      %swap3A_332 = vector.shape_cast %select_n3A_325 : vector<16xf32> to vector<16xf32>
      tpu.vector_store %arg10[%swap3A_329], %swap3A_332 {strides = array<i32>} : memref<1024xf32, #tpu.memory_space<vmem>>, vector<16xf32>,
      %mul3A_333 = arith.constant 16 : i32
      %mul3A_334 = arith.muli %scan3A_297, %mul3A_333 : i32
      %swap3A_335 = arith.index_cast %mul3A_334 : i32 to index
      %swap3A_336 = tpu.vector_load %arg11[%swap3A_335] {strides = array<i32>} : memref<1024xf32, #tpu.memory_space<vmem>>, vector<16xf32>,
      %swap3A_337 = vector.shape_cast %swap3A_336 : vector<16xf32> to vector<16xf32>
      %swap3A_338 = vector.shape_cast %select_n3A_326 : vector<16xf32> to vector<16xf32>
      tpu.vector_store %arg11[%swap3A_335], %swap3A_338 {strides = array<i32>} : memref<1024xf32, #tpu.memory_space<vmem>>, vector<16xf32>,
    }
    %scan3A_118 = arith.constant 62 : i32
    %get3A_119 = arith.constant 1984 : index
    %get3A_120 = tpu.vector_load %arg6[%get3A_119] {strides = array<i32>} : memref<2000xf32, #tpu.memory_space<vmem>>, vector<16xf32>,
    %get3A_121 = vector.shape_cast %get3A_120 : vector<16xf32> to vector<16xf32>
    %broadcast_in_dim3A_122 = vector.shape_cast %mul3A_58 : vector<16xi32> to vector<16x1xi32>
    %gather3A_123 = vector.shape_cast %broadcast_in_dim3A_122 : vector<16x1xi32> to vector<16xi32>
    %gather3A_124 = tpu.dynamic_gather %get3A_121[%gather3A_123] in [0] : vector<16xf32>, vector<16xi32> -> vector<16xf32>
    %broadcast_in_dim3A_125 = vector.shape_cast %mul3A_58 : vector<16xi32> to vector<16x1xi32>
    %gather3A_126 = vector.shape_cast %broadcast_in_dim3A_125 : vector<16x1xi32> to vector<16xi32>
    %gather3A_127 = tpu.dynamic_gather %get3A_121[%gather3A_126] in [0] : vector<16xf32>, vector<16xi32> -> vector<16xf32>
    %broadcast_in_dim3A_128 = vector.shape_cast %add3A_61 : vector<16xi32> to vector<16x1xi32>
    %gather3A_129 = vector.shape_cast %broadcast_in_dim3A_128 : vector<16x1xi32> to vector<16xi32>
    %gather3A_130 = tpu.dynamic_gather %get3A_121[%gather3A_129] in [0] : vector<16xf32>, vector<16xi32> -> vector<16xf32>
    %broadcast_in_dim3A_131 = vector.shape_cast %add3A_61 : vector<16xi32> to vector<16x1xi32>
    %gather3A_132 = vector.shape_cast %broadcast_in_dim3A_131 : vector<16x1xi32> to vector<16xi32>
    %gather3A_133 = tpu.dynamic_gather %get3A_121[%gather3A_132] in [0] : vector<16xf32>, vector<16xi32> -> vector<16xf32>
    %lt3A_134 = arith.constant 8 : i32
    %lt3A_135 = vector.broadcast %lt3A_134 : i32 to vector<16xi32>
    %lt3A_136 = arith.cmpi slt, %iota3A, %lt3A_135 : vector<16xi32>
    %select_n3A_137 = arith.select %lt3A_136, %gather3A_124, %gather3A_127 : vector<16xi1>, vector<16xf32>
    %select_n3A_138 = arith.select %lt3A_136, %gather3A_130, %gather3A_133 : vector<16xi1>, vector<16xf32>
    %lt3A_139 = arith.constant 8 : i32
    %lt3A_140 = vector.broadcast %lt3A_139 : i32 to vector<16xi32>
    %lt3A_141 = arith.cmpi slt, %iota3A, %lt3A_140 : vector<16xi32>
    %select_n3A_142 = arith.select %lt3A_141, %select_n3A_137, %broadcast_in_dim3A_63 : vector<16xi1>, vector<16xf32>
    %swap3A_143 = arith.constant 992 : index
    %swap3A_144 = tpu.vector_load %arg10[%swap3A_143] {strides = array<i32>} : memref<1024xf32, #tpu.memory_space<vmem>>, vector<16xf32>,
    %swap3A_145 = vector.shape_cast %swap3A_144 : vector<16xf32> to vector<16xf32>
    %swap3A_146 = vector.shape_cast %select_n3A_142 : vector<16xf32> to vector<16xf32>
    tpu.vector_store %arg10[%swap3A_143], %swap3A_146 {strides = array<i32>} : memref<1024xf32, #tpu.memory_space<vmem>>, vector<16xf32>,
    %select_n3A_147 = arith.select %lt3A_141, %select_n3A_138, %broadcast_in_dim3A_63 : vector<16xi1>, vector<16xf32>
    %swap3A_148 = arith.constant 992 : index
    %swap3A_149 = tpu.vector_load %arg11[%swap3A_148] {strides = array<i32>} : memref<1024xf32, #tpu.memory_space<vmem>>, vector<16xf32>,
    %swap3A_150 = vector.shape_cast %swap3A_149 : vector<16xf32> to vector<16xf32>
    %swap3A_151 = vector.shape_cast %select_n3A_147 : vector<16xf32> to vector<16xf32>
    tpu.vector_store %arg11[%swap3A_148], %swap3A_151 {strides = array<i32>} : memref<1024xf32, #tpu.memory_space<vmem>>, vector<16xf32>,
    %swap3A_152 = arith.constant 1008 : index
    %swap3A_153 = tpu.vector_load %arg10[%swap3A_152] {strides = array<i32>} : memref<1024xf32, #tpu.memory_space<vmem>>, vector<16xf32>,
    %swap3A_154 = vector.shape_cast %swap3A_153 : vector<16xf32> to vector<16xf32>
    %swap3A_155 = vector.shape_cast %broadcast_in_dim3A_63 : vector<16xf32> to vector<16xf32>
    tpu.vector_store %arg10[%swap3A_152], %swap3A_155 {strides = array<i32>} : memref<1024xf32, #tpu.memory_space<vmem>>, vector<16xf32>,
    %swap3A_156 = arith.constant 1008 : index
    %swap3A_157 = tpu.vector_load %arg11[%swap3A_156] {strides = array<i32>} : memref<1024xf32, #tpu.memory_space<vmem>>, vector<16xf32>,
    %swap3A_158 = vector.shape_cast %swap3A_157 : vector<16xf32> to vector<16xf32>
    %swap3A_159 = vector.shape_cast %broadcast_in_dim3A_63 : vector<16xf32> to vector<16xf32>
    tpu.vector_store %arg11[%swap3A_156], %swap3A_159 {strides = array<i32>} : memref<1024xf32, #tpu.memory_space<vmem>>, vector<16xf32>,
    %scan3A_160 = arith.constant 0 : i32
    %scan3A_161 = arith.constant 0 : i32
    %scan3A_162 = arith.constant 64 : i32
    %scan3A_163 = arith.addi %scan3A_161, %scan3A_162 : i32
    %scan3A_164 = arith.constant 1 : i32
    scf.for %scan3A_297 = %scan3A_161 to %scan3A_163 step %scan3A_164  : i32 {
      %mul3A_298 = arith.constant 16 : i32
      %mul3A_299 = arith.muli %scan3A_297, %mul3A_298 : i32
      %swap3A_300 = arith.index_cast %mul3A_299 : i32 to index
      %swap3A_301 = tpu.vector_load %arg15[%swap3A_300] {strides = array<i32>} : memref<1024xf32, #tpu.memory_space<vmem>>, vector<16xf32>,
      %swap3A_302 = vector.shape_cast %swap3A_301 : vector<16xf32> to vector<16xf32>
      %swap3A_303 = vector.shape_cast %broadcast_in_dim3A_33 : vector<16xf32> to vector<16xf32>
      tpu.vector_store %arg15[%swap3A_300], %swap3A_303 {strides = array<i32>} : memref<1024xf32, #tpu.memory_space<vmem>>, vector<16xf32>,
    }
    %scan3A_165 = arith.constant 64 : i32
    %mul3A_166 = arith.constant 2 : i32
    %mul3A_167 = arith.muli %mul3A_166, %select_n3A : i32
    "tpu.region"() ({
      %run_scoped3A = tpu.sem_alloc : memref<!tpu.dma_semaphore, #tpu.memory_space<semaphore_mem>>
      %dma_start3A = arith.constant 0 : i32
      %dma_start3A_297 = tpu.memref_slice %arg3[%mul3A_167, %dma_start3A] : memref<32x64xf32, #tpu.memory_space<hbm>> -> memref<1x64xf32, #tpu.memory_space<hbm>>
      %dma_start3A_298 = tpu.memref_squeeze %dma_start3A_297 : memref<1x64xf32, #tpu.memory_space<hbm>> -> memref<64xf32, #tpu.memory_space<hbm>>
      %dma_start3A_299 = arith.constant 0 : i32
      %dma_start3A_300 = tpu.memref_slice %arg3[%mul3A_167, %dma_start3A_299] : memref<32x64xf32, #tpu.memory_space<hbm>> -> memref<1x64xf32, #tpu.memory_space<hbm>>
      %dma_start3A_301 = tpu.memref_squeeze %dma_start3A_300 : memref<1x64xf32, #tpu.memory_space<hbm>> -> memref<64xf32, #tpu.memory_space<hbm>>
      tpu.enqueue_dma source(%dma_start3A_301 : memref<64xf32, #tpu.memory_space<hbm>>) target(%arg7 : memref<64xf32, #tpu.memory_space<vmem>>) target_semaphore(%run_scoped3A : memref<!tpu.dma_semaphore, #tpu.memory_space<semaphore_mem>>)
      %dma_wait3A = arith.constant 0 : i32
      %dma_wait3A_302 = tpu.memref_slice %arg3[%mul3A_167, %dma_wait3A] : memref<32x64xf32, #tpu.memory_space<hbm>> -> memref<1x64xf32, #tpu.memory_space<hbm>>
      %dma_wait3A_303 = tpu.memref_squeeze %dma_wait3A_302 : memref<1x64xf32, #tpu.memory_space<hbm>> -> memref<64xf32, #tpu.memory_space<hbm>>
      %dma_wait3A_304 = arith.constant 0 : i32
      %dma_wait3A_305 = tpu.memref_slice %arg3[%mul3A_167, %dma_wait3A_304] : memref<32x64xf32, #tpu.memory_space<hbm>> -> memref<1x64xf32, #tpu.memory_space<hbm>>
      %dma_wait3A_306 = tpu.memref_squeeze %dma_wait3A_305 : memref<1x64xf32, #tpu.memory_space<hbm>> -> memref<64xf32, #tpu.memory_space<hbm>>
      tpu.wait_dma2 semaphore(%run_scoped3A : memref<!tpu.dma_semaphore, #tpu.memory_space<semaphore_mem>>) src(%dma_wait3A_306 : memref<64xf32, #tpu.memory_space<hbm>>) dst(%arg7 : memref<64xf32, #tpu.memory_space<vmem>>)
      tpu.yield
    }) : () -> ()
    %mul3A_168 = arith.constant 2 : i32
    %mul3A_169 = arith.muli %mul3A_32, %mul3A_168 : i32
    %get3A_170 = arith.index_cast %mul3A_169 : i32 to index
    %get3A_171 = tpu.vector_load %arg7[%get3A_170] {strides = array<i32>} : memref<64xf32, #tpu.memory_space<vmem>>, vector<16xf32>,
    %get3A_172 = vector.shape_cast %get3A_171 : vector<16xf32> to vector<16xf32>
    %mul3A_173 = arith.constant 2 : i32
    %mul3A_174 = arith.muli %mul3A_32, %mul3A_173 : i32
    %add3A_175 = arith.constant 16 : i32
    %add3A_176 = arith.addi %mul3A_174, %add3A_175 : i32
    %get3A_177 = arith.index_cast %add3A_176 : i32 to index
    %get3A_178 = tpu.vector_load %arg7[%get3A_177] {strides = array<i32>} : memref<64xf32, #tpu.memory_space<vmem>>, vector<16xf32>,
    %get3A_179 = vector.shape_cast %get3A_178 : vector<16xf32> to vector<16xf32>
    %broadcast_in_dim3A_180 = vector.shape_cast %mul3A_58 : vector<16xi32> to vector<16x1xi32>
    %gather3A_181 = vector.shape_cast %broadcast_in_dim3A_180 : vector<16x1xi32> to vector<16xi32>
    %gather3A_182 = tpu.dynamic_gather %get3A_172[%gather3A_181] in [0] : vector<16xf32>, vector<16xi32> -> vector<16xf32>
    %broadcast_in_dim3A_183 = vector.shape_cast %mul3A_58 : vector<16xi32> to vector<16x1xi32>
    %gather3A_184 = vector.shape_cast %broadcast_in_dim3A_183 : vector<16x1xi32> to vector<16xi32>
    %gather3A_185 = tpu.dynamic_gather %get3A_179[%gather3A_184] in [0] : vector<16xf32>, vector<16xi32> -> vector<16xf32>
    %broadcast_in_dim3A_186 = vector.shape_cast %add3A_61 : vector<16xi32> to vector<16x1xi32>
    %gather3A_187 = vector.shape_cast %broadcast_in_dim3A_186 : vector<16x1xi32> to vector<16xi32>
    %gather3A_188 = tpu.dynamic_gather %get3A_172[%gather3A_187] in [0] : vector<16xf32>, vector<16xi32> -> vector<16xf32>
    %broadcast_in_dim3A_189 = vector.shape_cast %add3A_61 : vector<16xi32> to vector<16x1xi32>
    %gather3A_190 = vector.shape_cast %broadcast_in_dim3A_189 : vector<16x1xi32> to vector<16xi32>
    %gather3A_191 = tpu.dynamic_gather %get3A_179[%gather3A_190] in [0] : vector<16xf32>, vector<16xi32> -> vector<16xf32>
    %lt3A_192 = arith.constant 8 : i32
    %lt3A_193 = vector.broadcast %lt3A_192 : i32 to vector<16xi32>
    %lt3A_194 = arith.cmpi slt, %iota3A, %lt3A_193 : vector<16xi32>
    %select_n3A_195 = arith.select %lt3A_194, %gather3A_182, %gather3A_185 : vector<16xi1>, vector<16xf32>
    %select_n3A_196 = arith.select %lt3A_194, %gather3A_188, %gather3A_191 : vector<16xi1>, vector<16xf32>
    %swap3A_197 = arith.constant 0 : index
    %swap3A_198 = tpu.vector_load %arg12[%swap3A_197] {strides = array<i32>} : memref<16xf32, #tpu.memory_space<vmem>>, vector<16xf32>,
    %swap3A_199 = vector.shape_cast %swap3A_198 : vector<16xf32> to vector<16xf32>
    %swap3A_200 = vector.shape_cast %select_n3A_195 : vector<16xf32> to vector<16xf32>
    tpu.vector_store %arg12[%swap3A_197], %swap3A_200 {strides = array<i32>} : memref<16xf32, #tpu.memory_space<vmem>>, vector<16xf32>,
    %swap3A_201 = arith.constant 0 : index
    %swap3A_202 = tpu.vector_load %arg13[%swap3A_201] {strides = array<i32>} : memref<16xf32, #tpu.memory_space<vmem>>, vector<16xf32>,
    %swap3A_203 = vector.shape_cast %swap3A_202 : vector<16xf32> to vector<16xf32>
    %swap3A_204 = vector.shape_cast %select_n3A_196 : vector<16xf32> to vector<16xf32>
    tpu.vector_store %arg13[%swap3A_201], %swap3A_204 {strides = array<i32>} : memref<16xf32, #tpu.memory_space<vmem>>, vector<16xf32>,
    %mul3A_205 = arith.constant 2 : i32
    %mul3A_206 = arith.muli %mul3A_205, %select_n3A : i32
    %add3A_207 = arith.constant 1 : i32
    %add3A_208 = arith.addi %mul3A_206, %add3A_207 : i32
    "tpu.region"() ({
      %run_scoped3A = tpu.sem_alloc : memref<!tpu.dma_semaphore, #tpu.memory_space<semaphore_mem>>
      %dma_start3A = arith.constant 0 : i32
      %dma_start3A_297 = tpu.memref_slice %arg3[%add3A_208, %dma_start3A] : memref<32x64xf32, #tpu.memory_space<hbm>> -> memref<1x64xf32, #tpu.memory_space<hbm>>
      %dma_start3A_298 = tpu.memref_squeeze %dma_start3A_297 : memref<1x64xf32, #tpu.memory_space<hbm>> -> memref<64xf32, #tpu.memory_space<hbm>>
      %dma_start3A_299 = arith.constant 0 : i32
      %dma_start3A_300 = tpu.memref_slice %arg3[%add3A_208, %dma_start3A_299] : memref<32x64xf32, #tpu.memory_space<hbm>> -> memref<1x64xf32, #tpu.memory_space<hbm>>
      %dma_start3A_301 = tpu.memref_squeeze %dma_start3A_300 : memref<1x64xf32, #tpu.memory_space<hbm>> -> memref<64xf32, #tpu.memory_space<hbm>>
      tpu.enqueue_dma source(%dma_start3A_301 : memref<64xf32, #tpu.memory_space<hbm>>) target(%arg7 : memref<64xf32, #tpu.memory_space<vmem>>) target_semaphore(%run_scoped3A : memref<!tpu.dma_semaphore, #tpu.memory_space<semaphore_mem>>)
      %dma_wait3A = arith.constant 0 : i32
      %dma_wait3A_302 = tpu.memref_slice %arg3[%add3A_208, %dma_wait3A] : memref<32x64xf32, #tpu.memory_space<hbm>> -> memref<1x64xf32, #tpu.memory_space<hbm>>
      %dma_wait3A_303 = tpu.memref_squeeze %dma_wait3A_302 : memref<1x64xf32, #tpu.memory_space<hbm>> -> memref<64xf32, #tpu.memory_space<hbm>>
      %dma_wait3A_304 = arith.constant 0 : i32
      %dma_wait3A_305 = tpu.memref_slice %arg3[%add3A_208, %dma_wait3A_304] : memref<32x64xf32, #tpu.memory_space<hbm>> -> memref<1x64xf32, #tpu.memory_space<hbm>>
      %dma_wait3A_306 = tpu.memref_squeeze %dma_wait3A_305 : memref<1x64xf32, #tpu.memory_space<hbm>> -> memref<64xf32, #tpu.memory_space<hbm>>
      tpu.wait_dma2 semaphore(%run_scoped3A : memref<!tpu.dma_semaphore, #tpu.memory_space<semaphore_mem>>) src(%dma_wait3A_306 : memref<64xf32, #tpu.memory_space<hbm>>) dst(%arg7 : memref<64xf32, #tpu.memory_space<vmem>>)
      tpu.yield
    }) : () -> ()
    %mul3A_209 = arith.constant 2 : i32
    %mul3A_210 = arith.muli %mul3A_32, %mul3A_209 : i32
    %get3A_211 = arith.index_cast %mul3A_210 : i32 to index
    %get3A_212 = tpu.vector_load %arg7[%get3A_211] {strides = array<i32>} : memref<64xf32, #tpu.memory_space<vmem>>, vector<16xf32>,
    %get3A_213 = vector.shape_cast %get3A_212 : vector<16xf32> to vector<16xf32>
    %mul3A_214 = arith.constant 2 : i32
    %mul3A_215 = arith.muli %mul3A_32, %mul3A_214 : i32
    %add3A_216 = arith.constant 16 : i32
    %add3A_217 = arith.addi %mul3A_215, %add3A_216 : i32
    %get3A_218 = arith.index_cast %add3A_217 : i32 to index
    %get3A_219 = tpu.vector_load %arg7[%get3A_218] {strides = array<i32>} : memref<64xf32, #tpu.memory_space<vmem>>, vector<16xf32>,
    %get3A_220 = vector.shape_cast %get3A_219 : vector<16xf32> to vector<16xf32>
    %broadcast_in_dim3A_221 = vector.shape_cast %mul3A_58 : vector<16xi32> to vector<16x1xi32>
    %gather3A_222 = vector.shape_cast %broadcast_in_dim3A_221 : vector<16x1xi32> to vector<16xi32>
    %gather3A_223 = tpu.dynamic_gather %get3A_213[%gather3A_222] in [0] : vector<16xf32>, vector<16xi32> -> vector<16xf32>
    %broadcast_in_dim3A_224 = vector.shape_cast %mul3A_58 : vector<16xi32> to vector<16x1xi32>
    %gather3A_225 = vector.shape_cast %broadcast_in_dim3A_224 : vector<16x1xi32> to vector<16xi32>
    %gather3A_226 = tpu.dynamic_gather %get3A_220[%gather3A_225] in [0] : vector<16xf32>, vector<16xi32> -> vector<16xf32>
    %broadcast_in_dim3A_227 = vector.shape_cast %add3A_61 : vector<16xi32> to vector<16x1xi32>
    %gather3A_228 = vector.shape_cast %broadcast_in_dim3A_227 : vector<16x1xi32> to vector<16xi32>
    %gather3A_229 = tpu.dynamic_gather %get3A_213[%gather3A_228] in [0] : vector<16xf32>, vector<16xi32> -> vector<16xf32>
    %broadcast_in_dim3A_230 = vector.shape_cast %add3A_61 : vector<16xi32> to vector<16x1xi32>
    %gather3A_231 = vector.shape_cast %broadcast_in_dim3A_230 : vector<16x1xi32> to vector<16xi32>
    %gather3A_232 = tpu.dynamic_gather %get3A_220[%gather3A_231] in [0] : vector<16xf32>, vector<16xi32> -> vector<16xf32>
    %lt3A_233 = arith.constant 8 : i32
    %lt3A_234 = vector.broadcast %lt3A_233 : i32 to vector<16xi32>
    %lt3A_235 = arith.cmpi slt, %iota3A, %lt3A_234 : vector<16xi32>
    %select_n3A_236 = arith.select %lt3A_235, %gather3A_223, %gather3A_226 : vector<16xi1>, vector<16xf32>
    %select_n3A_237 = arith.select %lt3A_235, %gather3A_229, %gather3A_232 : vector<16xi1>, vector<16xf32>
    %ne3A_238 = arith.constant -1.000000e+03 : f32
    %ne3A_239 = vector.broadcast %ne3A_238 : f32 to vector<16xf32>
    %ne3A_240 = arith.cmpf one, %select_n3A_236, %ne3A_239 : vector<16xf32>
    %jit3A_241 = arith.constant 1.000000e+00 : f32
    %jit3A_242 = arith.constant 0.000000e+00 : f32
    %broadcast_in_dim3A_243 = vector.broadcast %jit3A_241 : f32 to vector<16xf32>
    %broadcast_in_dim3A_244 = vector.broadcast %jit3A_242 : f32 to vector<16xf32>
    %select_n3A_245 = arith.select %ne3A_240, %broadcast_in_dim3A_243, %broadcast_in_dim3A_244 : vector<16xi1>, vector<16xf32>
    %swap3A_246 = arith.constant 0 : index
    %swap3A_247 = tpu.vector_load %arg14[%swap3A_246] {strides = array<i32>} : memref<16xf32, #tpu.memory_space<vmem>>, vector<16xf32>,
    %swap3A_248 = vector.shape_cast %swap3A_247 : vector<16xf32> to vector<16xf32>
    %swap3A_249 = vector.shape_cast %select_n3A_245 : vector<16xf32> to vector<16xf32>
    tpu.vector_store %arg14[%swap3A_246], %swap3A_249 {strides = array<i32>} : memref<16xf32, #tpu.memory_space<vmem>>, vector<16xf32>,
    %scan3A_250 = arith.constant 0 : i32
    %scan3A_251 = arith.constant 16 : i32
    %scan3A_252 = arith.addi %scan3A_250, %scan3A_251 : i32
    %scan3A_253 = arith.constant 1 : i32
    %scan3A_254 = scf.for %scan3A_297 = %scan3A_250 to %scan3A_252 step %scan3A_253 iter_args(%scan3A_298 = %broadcast_in_dim3A_33) -> (vector<16xf32>)  : i32 {
      %broadcast_in_dim3A_299 = vector.broadcast %scan3A_297 : i32 to vector<16xi32>
      %get3A_300 = arith.constant 0 : index
      %get3A_301 = tpu.vector_load %arg12[%get3A_300] {strides = array<i32>} : memref<16xf32, #tpu.memory_space<vmem>>, vector<16xf32>,
      %get3A_302 = vector.shape_cast %get3A_301 : vector<16xf32> to vector<16xf32>
      %broadcast_in_dim3A_303 = vector.shape_cast %broadcast_in_dim3A_299 : vector<16xi32> to vector<16x1xi32>
      %gather3A_304 = vector.shape_cast %broadcast_in_dim3A_303 : vector<16x1xi32> to vector<16xi32>
      %gather3A_305 = tpu.dynamic_gather %get3A_302[%gather3A_304] in [0] : vector<16xf32>, vector<16xi32> -> vector<16xf32>
      %get3A_306 = arith.constant 0 : index
      %get3A_307 = tpu.vector_load %arg13[%get3A_306] {strides = array<i32>} : memref<16xf32, #tpu.memory_space<vmem>>, vector<16xf32>,
      %get3A_308 = vector.shape_cast %get3A_307 : vector<16xf32> to vector<16xf32>
      %broadcast_in_dim3A_309 = vector.shape_cast %broadcast_in_dim3A_299 : vector<16xi32> to vector<16x1xi32>
      %gather3A_310 = vector.shape_cast %broadcast_in_dim3A_309 : vector<16x1xi32> to vector<16xi32>
      %gather3A_311 = tpu.dynamic_gather %get3A_308[%gather3A_310] in [0] : vector<16xf32>, vector<16xi32> -> vector<16xf32>
      %get3A_312 = arith.constant 0 : index
      %get3A_313 = tpu.vector_load %arg14[%get3A_312] {strides = array<i32>} : memref<16xf32, #tpu.memory_space<vmem>>, vector<16xf32>,
      %get3A_314 = vector.shape_cast %get3A_313 : vector<16xf32> to vector<16xf32>
      %broadcast_in_dim3A_315 = vector.shape_cast %broadcast_in_dim3A_299 : vector<16xi32> to vector<16x1xi32>
      %gather3A_316 = vector.shape_cast %broadcast_in_dim3A_315 : vector<16x1xi32> to vector<16xi32>
      %gather3A_317 = tpu.dynamic_gather %get3A_314[%gather3A_316] in [0] : vector<16xf32>, vector<16xi32> -> vector<16xf32>
      %add3A_318 = arith.constant 9.000000e+01 : f32
      %add3A_319 = vector.broadcast %add3A_318 : f32 to vector<16xf32>
      %add3A_320 = arith.addf %gather3A_305, %add3A_319 : vector<16xf32>
      %div3A_321 = arith.constant 1.800000e+02 : f32
      %div3A_322 = vector.broadcast %div3A_321 : f32 to vector<16xf32>
      %div3A_323 = arith.divf %add3A_320, %div3A_322 : vector<16xf32>
      %add3A_324 = arith.constant 3.000000e+02 : f32
      %add3A_325 = vector.broadcast %add3A_324 : f32 to vector<16xf32>
      %add3A_326 = arith.addf %gather3A_311, %add3A_325 : vector<16xf32>
      %div3A_327 = arith.constant 6.000000e+02 : f32
      %div3A_328 = vector.broadcast %div3A_327 : f32 to vector<16xf32>
      %div3A_329 = arith.divf %add3A_326, %div3A_328 : vector<16xf32>
      %broadcast_in_dim3A_330 = arith.constant 3.000000e+38 : f32
      %broadcast_in_dim3A_331 = vector.broadcast %broadcast_in_dim3A_330 : f32 to vector<16xf32>
      %scan3A_332 = arith.constant 0 : i32
      %scan3A_333 = arith.constant 16 : i32
      %scan3A_334 = arith.addi %scan3A_332, %scan3A_333 : i32
      %scan3A_335 = arith.constant 1 : i32
      %scan3A_336:5 = scf.for %scan3A_516 = %scan3A_332 to %scan3A_334 step %scan3A_335 iter_args(%scan3A_517 = %broadcast_in_dim3A_331, %scan3A_518 = %broadcast_in_dim3A_33, %scan3A_519 = %broadcast_in_dim3A_33, %scan3A_520 = %broadcast_in_dim3A_33, %scan3A_521 = %convert_element_type3A) -> (vector<16xf32>, vector<16xf32>, vector<16xf32>, vector<16xf32>, vector<16xf32>)  : i32 {
        %mul3A_522 = arith.constant 4 : i32
        %mul3A_523 = arith.muli %scan3A_516, %mul3A_522 : i32
        %add3A_524 = arith.constant 0 : i32
        %add3A_525 = arith.addi %mul3A_523, %add3A_524 : i32
        %mul3A_526 = arith.constant 16 : i32
        %mul3A_527 = arith.muli %add3A_525, %mul3A_526 : i32
        %get3A_528 = arith.index_cast %mul3A_527 : i32 to index
        %get3A_529 = tpu.vector_load %arg8[%get3A_528] {strides = array<i32>} : memref<1024xf32, #tpu.memory_space<vmem>>, vector<16xf32>,
        %get3A_530 = vector.shape_cast %get3A_529 : vector<16xf32> to vector<16xf32>
        %get3A_531 = arith.index_cast %mul3A_527 : i32 to index
        %get3A_532 = tpu.vector_load %arg9[%get3A_531] {strides = array<i32>} : memref<1024xf32, #tpu.memory_space<vmem>>, vector<16xf32>,
        %get3A_533 = vector.shape_cast %get3A_532 : vector<16xf32> to vector<16xf32>
        %sub3A_534 = arith.subf %div3A_323, %get3A_530 : vector<16xf32>
        %abs3A = math.absf %sub3A_534 : vector<16xf32>
        %sub3A_535 = arith.subf %div3A_329, %get3A_533 : vector<16xf32>
        %abs3A_536 = math.absf %sub3A_535 : vector<16xf32>
        %lt3A_537 = arith.constant 0.0333333351 : f32
        %lt3A_538 = vector.broadcast %lt3A_537 : f32 to vector<16xf32>
        %lt3A_539 = arith.cmpf olt, %abs3A, %lt3A_538 : vector<16xf32>
        %lt3A_540 = arith.constant 0.0333333351 : f32
        %lt3A_541 = vector.broadcast %lt3A_540 : f32 to vector<16xf32>
        %lt3A_542 = arith.cmpf olt, %abs3A_536, %lt3A_541 : vector<16xf32>
        %and3A_543 = arith.andi %lt3A_539, %lt3A_542 : vector<16xi1>
        %mul3A_544 = arith.mulf %abs3A_536, %abs3A_536 : vector<16xf32>
        %mul3A_545 = arith.mulf %abs3A, %abs3A : vector<16xf32>
        %add3A_546 = arith.addf %mul3A_544, %mul3A_545 : vector<16xf32>
        %get3A_547 = arith.index_cast %mul3A_527 : i32 to index
        %get3A_548 = tpu.vector_load %arg10[%get3A_547] {strides = array<i32>} : memref<1024xf32, #tpu.memory_space<vmem>>, vector<16xf32>,
        %get3A_549 = vector.shape_cast %get3A_548 : vector<16xf32> to vector<16xf32>
        %get3A_550 = arith.index_cast %mul3A_527 : i32 to index
        %get3A_551 = tpu.vector_load %arg11[%get3A_550] {strides = array<i32>} : memref<1024xf32, #tpu.memory_space<vmem>>, vector<16xf32>,
        %get3A_552 = vector.shape_cast %get3A_551 : vector<16xf32> to vector<16xf32>
        %sub3A_553 = arith.subf %div3A_323, %get3A_549 : vector<16xf32>
        %sub3A_554 = arith.subf %div3A_329, %get3A_552 : vector<16xf32>
        %mul3A_555 = arith.mulf %sub3A_553, %sub3A_553 : vector<16xf32>
        %mul3A_556 = arith.mulf %sub3A_554, %sub3A_554 : vector<16xf32>
        %add3A_557 = arith.addf %mul3A_555, %mul3A_556 : vector<16xf32>
        %lt3A_558 = arith.cmpf olt, %add3A_546, %scan3A_517 : vector<16xf32>
        %select_n3A_559 = arith.select %lt3A_558, %add3A_546, %scan3A_517 : vector<16xi1>, vector<16xf32>
        %select_n3A_560 = arith.select %lt3A_558, %scan3A_521, %scan3A_518 : vector<16xi1>, vector<16xf32>
        %jit3A_561 = arith.constant 0.000000e+00 : f32
        %broadcast_in_dim3A_562 = vector.broadcast %jit3A_561 : f32 to vector<16xf32>
        %select_n3A_563 = arith.select %and3A_543, %add3A_557, %broadcast_in_dim3A_562 : vector<16xi1>, vector<16xf32>
        %add3A_564 = arith.addf %scan3A_519, %select_n3A_563 : vector<16xf32>
        %jit3A_565 = arith.constant 0.000000e+00 : f32
        %broadcast_in_dim3A_566 = vector.broadcast %jit3A_565 : f32 to vector<16xf32>
        %select_n3A_567 = arith.select %and3A_543, %gather3A_317, %broadcast_in_dim3A_566 : vector<16xi1>, vector<16xf32>
        %get3A_568 = arith.index_cast %mul3A_527 : i32 to index
        %get3A_569 = tpu.vector_load %arg15[%get3A_568] {strides = array<i32>} : memref<1024xf32, #tpu.memory_space<vmem>>, vector<16xf32>,
        %get3A_570 = vector.shape_cast %get3A_569 : vector<16xf32> to vector<16xf32>
        %max3A_571 = arith.maximumf %get3A_570, %select_n3A_567 : vector<16xf32>
        %swap3A_572 = arith.index_cast %mul3A_527 : i32 to index
        %swap3A_573 = tpu.vector_load %arg15[%swap3A_572] {strides = array<i32>} : memref<1024xf32, #tpu.memory_space<vmem>>, vector<16xf32>,
        %swap3A_574 = vector.shape_cast %swap3A_573 : vector<16xf32> to vector<16xf32>
        %swap3A_575 = vector.shape_cast %max3A_571 : vector<16xf32> to vector<16xf32>
        tpu.vector_store %arg15[%swap3A_572], %swap3A_575 {strides = array<i32>} : memref<1024xf32, #tpu.memory_space<vmem>>, vector<16xf32>,
        %max3A_576 = arith.maximumf %scan3A_520, %select_n3A_567 : vector<16xf32>
        %add3A_577 = arith.constant 1.600000e+01 : f32
        %add3A_578 = vector.broadcast %add3A_577 : f32 to vector<16xf32>
        %add3A_579 = arith.addf %scan3A_521, %add3A_578 : vector<16xf32>
        %mul3A_580 = arith.constant 4 : i32
        %mul3A_581 = arith.muli %scan3A_516, %mul3A_580 : i32
        %add3A_582 = arith.constant 1 : i32
        %add3A_583 = arith.addi %mul3A_581, %add3A_582 : i32
        %mul3A_584 = arith.constant 16 : i32
        %mul3A_585 = arith.muli %add3A_583, %mul3A_584 : i32
        %get3A_586 = arith.index_cast %mul3A_585 : i32 to index
        %get3A_587 = tpu.vector_load %arg8[%get3A_586] {strides = array<i32>} : memref<1024xf32, #tpu.memory_space<vmem>>, vector<16xf32>,
        %get3A_588 = vector.shape_cast %get3A_587 : vector<16xf32> to vector<16xf32>
        %get3A_589 = arith.index_cast %mul3A_585 : i32 to index
        %get3A_590 = tpu.vector_load %arg9[%get3A_589] {strides = array<i32>} : memref<1024xf32, #tpu.memory_space<vmem>>, vector<16xf32>,
        %get3A_591 = vector.shape_cast %get3A_590 : vector<16xf32> to vector<16xf32>
        %sub3A_592 = arith.subf %div3A_323, %get3A_588 : vector<16xf32>
        %abs3A_593 = math.absf %sub3A_592 : vector<16xf32>
        %sub3A_594 = arith.subf %div3A_329, %get3A_591 : vector<16xf32>
        %abs3A_595 = math.absf %sub3A_594 : vector<16xf32>
        %lt3A_596 = arith.constant 0.0333333351 : f32
        %lt3A_597 = vector.broadcast %lt3A_596 : f32 to vector<16xf32>
        %lt3A_598 = arith.cmpf olt, %abs3A_593, %lt3A_597 : vector<16xf32>
        %lt3A_599 = arith.constant 0.0333333351 : f32
        %lt3A_600 = vector.broadcast %lt3A_599 : f32 to vector<16xf32>
        %lt3A_601 = arith.cmpf olt, %abs3A_595, %lt3A_600 : vector<16xf32>
        %and3A_602 = arith.andi %lt3A_598, %lt3A_601 : vector<16xi1>
        %mul3A_603 = arith.mulf %abs3A_595, %abs3A_595 : vector<16xf32>
        %mul3A_604 = arith.mulf %abs3A_593, %abs3A_593 : vector<16xf32>
        %add3A_605 = arith.addf %mul3A_603, %mul3A_604 : vector<16xf32>
        %get3A_606 = arith.index_cast %mul3A_585 : i32 to index
        %get3A_607 = tpu.vector_load %arg10[%get3A_606] {strides = array<i32>} : memref<1024xf32, #tpu.memory_space<vmem>>, vector<16xf32>,
        %get3A_608 = vector.shape_cast %get3A_607 : vector<16xf32> to vector<16xf32>
        %get3A_609 = arith.index_cast %mul3A_585 : i32 to index
        %get3A_610 = tpu.vector_load %arg11[%get3A_609] {strides = array<i32>} : memref<1024xf32, #tpu.memory_space<vmem>>, vector<16xf32>,
        %get3A_611 = vector.shape_cast %get3A_610 : vector<16xf32> to vector<16xf32>
        %sub3A_612 = arith.subf %div3A_323, %get3A_608 : vector<16xf32>
        %sub3A_613 = arith.subf %div3A_329, %get3A_611 : vector<16xf32>
        %mul3A_614 = arith.mulf %sub3A_612, %sub3A_612 : vector<16xf32>
        %mul3A_615 = arith.mulf %sub3A_613, %sub3A_613 : vector<16xf32>
        %add3A_616 = arith.addf %mul3A_614, %mul3A_615 : vector<16xf32>
        %lt3A_617 = arith.cmpf olt, %add3A_605, %select_n3A_559 : vector<16xf32>
        %select_n3A_618 = arith.select %lt3A_617, %add3A_605, %select_n3A_559 : vector<16xi1>, vector<16xf32>
        %select_n3A_619 = arith.select %lt3A_617, %add3A_579, %select_n3A_560 : vector<16xi1>, vector<16xf32>
        %jit3A_620 = arith.constant 0.000000e+00 : f32
        %broadcast_in_dim3A_621 = vector.broadcast %jit3A_620 : f32 to vector<16xf32>
        %select_n3A_622 = arith.select %and3A_602, %add3A_616, %broadcast_in_dim3A_621 : vector<16xi1>, vector<16xf32>
        %add3A_623 = arith.addf %add3A_564, %select_n3A_622 : vector<16xf32>
        %jit3A_624 = arith.constant 0.000000e+00 : f32
        %broadcast_in_dim3A_625 = vector.broadcast %jit3A_624 : f32 to vector<16xf32>
        %select_n3A_626 = arith.select %and3A_602, %gather3A_317, %broadcast_in_dim3A_625 : vector<16xi1>, vector<16xf32>
        %get3A_627 = arith.index_cast %mul3A_585 : i32 to index
        %get3A_628 = tpu.vector_load %arg15[%get3A_627] {strides = array<i32>} : memref<1024xf32, #tpu.memory_space<vmem>>, vector<16xf32>,
        %get3A_629 = vector.shape_cast %get3A_628 : vector<16xf32> to vector<16xf32>
        %max3A_630 = arith.maximumf %get3A_629, %select_n3A_626 : vector<16xf32>
        %swap3A_631 = arith.index_cast %mul3A_585 : i32 to index
        %swap3A_632 = tpu.vector_load %arg15[%swap3A_631] {strides = array<i32>} : memref<1024xf32, #tpu.memory_space<vmem>>, vector<16xf32>,
        %swap3A_633 = vector.shape_cast %swap3A_632 : vector<16xf32> to vector<16xf32>
        %swap3A_634 = vector.shape_cast %max3A_630 : vector<16xf32> to vector<16xf32>
        tpu.vector_store %arg15[%swap3A_631], %swap3A_634 {strides = array<i32>} : memref<1024xf32, #tpu.memory_space<vmem>>, vector<16xf32>,
        %max3A_635 = arith.maximumf %max3A_576, %select_n3A_626 : vector<16xf32>
        %add3A_636 = arith.constant 1.600000e+01 : f32
        %add3A_637 = vector.broadcast %add3A_636 : f32 to vector<16xf32>
        %add3A_638 = arith.addf %add3A_579, %add3A_637 : vector<16xf32>
        %mul3A_639 = arith.constant 4 : i32
        %mul3A_640 = arith.muli %scan3A_516, %mul3A_639 : i32
        %add3A_641 = arith.constant 2 : i32
        %add3A_642 = arith.addi %mul3A_640, %add3A_641 : i32
        %mul3A_643 = arith.constant 16 : i32
        %mul3A_644 = arith.muli %add3A_642, %mul3A_643 : i32
        %get3A_645 = arith.index_cast %mul3A_644 : i32 to index
        %get3A_646 = tpu.vector_load %arg8[%get3A_645] {strides = array<i32>} : memref<1024xf32, #tpu.memory_space<vmem>>, vector<16xf32>,
        %get3A_647 = vector.shape_cast %get3A_646 : vector<16xf32> to vector<16xf32>
        %get3A_648 = arith.index_cast %mul3A_644 : i32 to index
        %get3A_649 = tpu.vector_load %arg9[%get3A_648] {strides = array<i32>} : memref<1024xf32, #tpu.memory_space<vmem>>, vector<16xf32>,
        %get3A_650 = vector.shape_cast %get3A_649 : vector<16xf32> to vector<16xf32>
        %sub3A_651 = arith.subf %div3A_323, %get3A_647 : vector<16xf32>
        %abs3A_652 = math.absf %sub3A_651 : vector<16xf32>
        %sub3A_653 = arith.subf %div3A_329, %get3A_650 : vector<16xf32>
        %abs3A_654 = math.absf %sub3A_653 : vector<16xf32>
        %lt3A_655 = arith.constant 0.0333333351 : f32
        %lt3A_656 = vector.broadcast %lt3A_655 : f32 to vector<16xf32>
        %lt3A_657 = arith.cmpf olt, %abs3A_652, %lt3A_656 : vector<16xf32>
        %lt3A_658 = arith.constant 0.0333333351 : f32
        %lt3A_659 = vector.broadcast %lt3A_658 : f32 to vector<16xf32>
        %lt3A_660 = arith.cmpf olt, %abs3A_654, %lt3A_659 : vector<16xf32>
        %and3A_661 = arith.andi %lt3A_657, %lt3A_660 : vector<16xi1>
        %mul3A_662 = arith.mulf %abs3A_654, %abs3A_654 : vector<16xf32>
        %mul3A_663 = arith.mulf %abs3A_652, %abs3A_652 : vector<16xf32>
        %add3A_664 = arith.addf %mul3A_662, %mul3A_663 : vector<16xf32>
        %get3A_665 = arith.index_cast %mul3A_644 : i32 to index
        %get3A_666 = tpu.vector_load %arg10[%get3A_665] {strides = array<i32>} : memref<1024xf32, #tpu.memory_space<vmem>>, vector<16xf32>,
        %get3A_667 = vector.shape_cast %get3A_666 : vector<16xf32> to vector<16xf32>
        %get3A_668 = arith.index_cast %mul3A_644 : i32 to index
        %get3A_669 = tpu.vector_load %arg11[%get3A_668] {strides = array<i32>} : memref<1024xf32, #tpu.memory_space<vmem>>, vector<16xf32>,
        %get3A_670 = vector.shape_cast %get3A_669 : vector<16xf32> to vector<16xf32>
        %sub3A_671 = arith.subf %div3A_323, %get3A_667 : vector<16xf32>
        %sub3A_672 = arith.subf %div3A_329, %get3A_670 : vector<16xf32>
        %mul3A_673 = arith.mulf %sub3A_671, %sub3A_671 : vector<16xf32>
        %mul3A_674 = arith.mulf %sub3A_672, %sub3A_672 : vector<16xf32>
        %add3A_675 = arith.addf %mul3A_673, %mul3A_674 : vector<16xf32>
        %lt3A_676 = arith.cmpf olt, %add3A_664, %select_n3A_618 : vector<16xf32>
        %select_n3A_677 = arith.select %lt3A_676, %add3A_664, %select_n3A_618 : vector<16xi1>, vector<16xf32>
        %select_n3A_678 = arith.select %lt3A_676, %add3A_638, %select_n3A_619 : vector<16xi1>, vector<16xf32>
        %jit3A_679 = arith.constant 0.000000e+00 : f32
        %broadcast_in_dim3A_680 = vector.broadcast %jit3A_679 : f32 to vector<16xf32>
        %select_n3A_681 = arith.select %and3A_661, %add3A_675, %broadcast_in_dim3A_680 : vector<16xi1>, vector<16xf32>
        %add3A_682 = arith.addf %add3A_623, %select_n3A_681 : vector<16xf32>
        %jit3A_683 = arith.constant 0.000000e+00 : f32
        %broadcast_in_dim3A_684 = vector.broadcast %jit3A_683 : f32 to vector<16xf32>
        %select_n3A_685 = arith.select %and3A_661, %gather3A_317, %broadcast_in_dim3A_684 : vector<16xi1>, vector<16xf32>
        %get3A_686 = arith.index_cast %mul3A_644 : i32 to index
        %get3A_687 = tpu.vector_load %arg15[%get3A_686] {strides = array<i32>} : memref<1024xf32, #tpu.memory_space<vmem>>, vector<16xf32>,
        %get3A_688 = vector.shape_cast %get3A_687 : vector<16xf32> to vector<16xf32>
        %max3A_689 = arith.maximumf %get3A_688, %select_n3A_685 : vector<16xf32>
        %swap3A_690 = arith.index_cast %mul3A_644 : i32 to index
        %swap3A_691 = tpu.vector_load %arg15[%swap3A_690] {strides = array<i32>} : memref<1024xf32, #tpu.memory_space<vmem>>, vector<16xf32>,
        %swap3A_692 = vector.shape_cast %swap3A_691 : vector<16xf32> to vector<16xf32>
        %swap3A_693 = vector.shape_cast %max3A_689 : vector<16xf32> to vector<16xf32>
        tpu.vector_store %arg15[%swap3A_690], %swap3A_693 {strides = array<i32>} : memref<1024xf32, #tpu.memory_space<vmem>>, vector<16xf32>,
        %max3A_694 = arith.maximumf %max3A_635, %select_n3A_685 : vector<16xf32>
        %add3A_695 = arith.constant 1.600000e+01 : f32
        %add3A_696 = vector.broadcast %add3A_695 : f32 to vector<16xf32>
        %add3A_697 = arith.addf %add3A_638, %add3A_696 : vector<16xf32>
        %mul3A_698 = arith.constant 4 : i32
        %mul3A_699 = arith.muli %scan3A_516, %mul3A_698 : i32
        %add3A_700 = arith.constant 3 : i32
        %add3A_701 = arith.addi %mul3A_699, %add3A_700 : i32
        %mul3A_702 = arith.constant 16 : i32
        %mul3A_703 = arith.muli %add3A_701, %mul3A_702 : i32
        %get3A_704 = arith.index_cast %mul3A_703 : i32 to index
        %get3A_705 = tpu.vector_load %arg8[%get3A_704] {strides = array<i32>} : memref<1024xf32, #tpu.memory_space<vmem>>, vector<16xf32>,
        %get3A_706 = vector.shape_cast %get3A_705 : vector<16xf32> to vector<16xf32>
        %get3A_707 = arith.index_cast %mul3A_703 : i32 to index
        %get3A_708 = tpu.vector_load %arg9[%get3A_707] {strides = array<i32>} : memref<1024xf32, #tpu.memory_space<vmem>>, vector<16xf32>,
        %get3A_709 = vector.shape_cast %get3A_708 : vector<16xf32> to vector<16xf32>
        %sub3A_710 = arith.subf %div3A_323, %get3A_706 : vector<16xf32>
        %abs3A_711 = math.absf %sub3A_710 : vector<16xf32>
        %sub3A_712 = arith.subf %div3A_329, %get3A_709 : vector<16xf32>
        %abs3A_713 = math.absf %sub3A_712 : vector<16xf32>
        %lt3A_714 = arith.constant 0.0333333351 : f32
        %lt3A_715 = vector.broadcast %lt3A_714 : f32 to vector<16xf32>
        %lt3A_716 = arith.cmpf olt, %abs3A_711, %lt3A_715 : vector<16xf32>
        %lt3A_717 = arith.constant 0.0333333351 : f32
        %lt3A_718 = vector.broadcast %lt3A_717 : f32 to vector<16xf32>
        %lt3A_719 = arith.cmpf olt, %abs3A_713, %lt3A_718 : vector<16xf32>
        %and3A_720 = arith.andi %lt3A_716, %lt3A_719 : vector<16xi1>
        %mul3A_721 = arith.mulf %abs3A_713, %abs3A_713 : vector<16xf32>
        %mul3A_722 = arith.mulf %abs3A_711, %abs3A_711 : vector<16xf32>
        %add3A_723 = arith.addf %mul3A_721, %mul3A_722 : vector<16xf32>
        %get3A_724 = arith.index_cast %mul3A_703 : i32 to index
        %get3A_725 = tpu.vector_load %arg10[%get3A_724] {strides = array<i32>} : memref<1024xf32, #tpu.memory_space<vmem>>, vector<16xf32>,
        %get3A_726 = vector.shape_cast %get3A_725 : vector<16xf32> to vector<16xf32>
        %get3A_727 = arith.index_cast %mul3A_703 : i32 to index
        %get3A_728 = tpu.vector_load %arg11[%get3A_727] {strides = array<i32>} : memref<1024xf32, #tpu.memory_space<vmem>>, vector<16xf32>,
        %get3A_729 = vector.shape_cast %get3A_728 : vector<16xf32> to vector<16xf32>
        %sub3A_730 = arith.subf %div3A_323, %get3A_726 : vector<16xf32>
        %sub3A_731 = arith.subf %div3A_329, %get3A_729 : vector<16xf32>
        %mul3A_732 = arith.mulf %sub3A_730, %sub3A_730 : vector<16xf32>
        %mul3A_733 = arith.mulf %sub3A_731, %sub3A_731 : vector<16xf32>
        %add3A_734 = arith.addf %mul3A_732, %mul3A_733 : vector<16xf32>
        %lt3A_735 = arith.cmpf olt, %add3A_723, %select_n3A_677 : vector<16xf32>
        %select_n3A_736 = arith.select %lt3A_735, %add3A_723, %select_n3A_677 : vector<16xi1>, vector<16xf32>
        %select_n3A_737 = arith.select %lt3A_735, %add3A_697, %select_n3A_678 : vector<16xi1>, vector<16xf32>
        %jit3A_738 = arith.constant 0.000000e+00 : f32
        %broadcast_in_dim3A_739 = vector.broadcast %jit3A_738 : f32 to vector<16xf32>
        %select_n3A_740 = arith.select %and3A_720, %add3A_734, %broadcast_in_dim3A_739 : vector<16xi1>, vector<16xf32>
        %add3A_741 = arith.addf %add3A_682, %select_n3A_740 : vector<16xf32>
        %jit3A_742 = arith.constant 0.000000e+00 : f32
        %broadcast_in_dim3A_743 = vector.broadcast %jit3A_742 : f32 to vector<16xf32>
        %select_n3A_744 = arith.select %and3A_720, %gather3A_317, %broadcast_in_dim3A_743 : vector<16xi1>, vector<16xf32>
        %get3A_745 = arith.index_cast %mul3A_703 : i32 to index
        %get3A_746 = tpu.vector_load %arg15[%get3A_745] {strides = array<i32>} : memref<1024xf32, #tpu.memory_space<vmem>>, vector<16xf32>,
        %get3A_747 = vector.shape_cast %get3A_746 : vector<16xf32> to vector<16xf32>
        %max3A_748 = arith.maximumf %get3A_747, %select_n3A_744 : vector<16xf32>
        %swap3A_749 = arith.index_cast %mul3A_703 : i32 to index
        %swap3A_750 = tpu.vector_load %arg15[%swap3A_749] {strides = array<i32>} : memref<1024xf32, #tpu.memory_space<vmem>>, vector<16xf32>,
        %swap3A_751 = vector.shape_cast %swap3A_750 : vector<16xf32> to vector<16xf32>
        %swap3A_752 = vector.shape_cast %max3A_748 : vector<16xf32> to vector<16xf32>
        tpu.vector_store %arg15[%swap3A_749], %swap3A_752 {strides = array<i32>} : memref<1024xf32, #tpu.memory_space<vmem>>, vector<16xf32>,
        %max3A_753 = arith.maximumf %max3A_694, %select_n3A_744 : vector<16xf32>
        %add3A_754 = arith.constant 1.600000e+01 : f32
        %add3A_755 = vector.broadcast %add3A_754 : f32 to vector<16xf32>
        %add3A_756 = arith.addf %add3A_697, %add3A_755 : vector<16xf32>
        scf.yield %select_n3A_736, %select_n3A_737, %add3A_741, %max3A_753, %add3A_756 : vector<16xf32>, vector<16xf32>, vector<16xf32>, vector<16xf32>, vector<16xf32>
      }
      %scan3A_337 = arith.constant 16 : i32
      %iota3A_338 = tpu.iota {dimensions = array<i32: 0>} : vector<16xi32>
      %xor3A_339 = arith.constant 8 : i32
      %xor3A_340 = vector.broadcast %xor3A_339 : i32 to vector<16xi32>
      %xor3A_341 = arith.xori %iota3A_338, %xor3A_340 : vector<16xi32>
      %broadcast_in_dim3A_342 = vector.shape_cast %xor3A_341 : vector<16xi32> to vector<16x1xi32>
      %gather3A_343 = vector.shape_cast %broadcast_in_dim3A_342 : vector<16x1xi32> to vector<16xi32>
      %gather3A_344 = tpu.dynamic_gather %scan3A_336#3[%gather3A_343] in [0] : vector<16xf32>, vector<16xi32> -> vector<16xf32>
      %max3A = arith.maximumf %scan3A_336#3, %gather3A_344 : vector<16xf32>
      %xor3A_345 = arith.constant 4 : i32
      %xor3A_346 = vector.broadcast %xor3A_345 : i32 to vector<16xi32>
      %xor3A_347 = arith.xori %iota3A_338, %xor3A_346 : vector<16xi32>
      %broadcast_in_dim3A_348 = vector.shape_cast %xor3A_347 : vector<16xi32> to vector<16x1xi32>
      %gather3A_349 = vector.shape_cast %broadcast_in_dim3A_348 : vector<16x1xi32> to vector<16xi32>
      %gather3A_350 = tpu.dynamic_gather %max3A[%gather3A_349] in [0] : vector<16xf32>, vector<16xi32> -> vector<16xf32>
      %max3A_351 = arith.maximumf %max3A, %gather3A_350 : vector<16xf32>
      %xor3A_352 = arith.constant 2 : i32
      %xor3A_353 = vector.broadcast %xor3A_352 : i32 to vector<16xi32>
      %xor3A_354 = arith.xori %iota3A_338, %xor3A_353 : vector<16xi32>
      %broadcast_in_dim3A_355 = vector.shape_cast %xor3A_354 : vector<16xi32> to vector<16x1xi32>
      %gather3A_356 = vector.shape_cast %broadcast_in_dim3A_355 : vector<16x1xi32> to vector<16xi32>
      %gather3A_357 = tpu.dynamic_gather %max3A_351[%gather3A_356] in [0] : vector<16xf32>, vector<16xi32> -> vector<16xf32>
      %max3A_358 = arith.maximumf %max3A_351, %gather3A_357 : vector<16xf32>
      %xor3A_359 = arith.constant 1 : i32
      %xor3A_360 = vector.broadcast %xor3A_359 : i32 to vector<16xi32>
      %xor3A_361 = arith.xori %iota3A_338, %xor3A_360 : vector<16xi32>
      %broadcast_in_dim3A_362 = vector.shape_cast %xor3A_361 : vector<16xi32> to vector<16x1xi32>
      %gather3A_363 = vector.shape_cast %broadcast_in_dim3A_362 : vector<16x1xi32> to vector<16xi32>
      %gather3A_364 = tpu.dynamic_gather %max3A_358[%gather3A_363] in [0] : vector<16xf32>, vector<16xi32> -> vector<16xf32>
      %max3A_365 = arith.maximumf %max3A_358, %gather3A_364 : vector<16xf32>
      %iota3A_366 = tpu.iota {dimensions = array<i32: 0>} : vector<16xi32>
      %xor3A_367 = arith.constant 8 : i32
      %xor3A_368 = vector.broadcast %xor3A_367 : i32 to vector<16xi32>
      %xor3A_369 = arith.xori %iota3A_366, %xor3A_368 : vector<16xi32>
      %broadcast_in_dim3A_370 = vector.shape_cast %xor3A_369 : vector<16xi32> to vector<16x1xi32>
      %gather3A_371 = vector.shape_cast %broadcast_in_dim3A_370 : vector<16x1xi32> to vector<16xi32>
      %gather3A_372 = tpu.dynamic_gather %scan3A_336#0[%gather3A_371] in [0] : vector<16xf32>, vector<16xi32> -> vector<16xf32>
      %min3A = arith.minimumf %scan3A_336#0, %gather3A_372 : vector<16xf32>
      %xor3A_373 = arith.constant 4 : i32
      %xor3A_374 = vector.broadcast %xor3A_373 : i32 to vector<16xi32>
      %xor3A_375 = arith.xori %iota3A_366, %xor3A_374 : vector<16xi32>
      %broadcast_in_dim3A_376 = vector.shape_cast %xor3A_375 : vector<16xi32> to vector<16x1xi32>
      %gather3A_377 = vector.shape_cast %broadcast_in_dim3A_376 : vector<16x1xi32> to vector<16xi32>
      %gather3A_378 = tpu.dynamic_gather %min3A[%gather3A_377] in [0] : vector<16xf32>, vector<16xi32> -> vector<16xf32>
      %min3A_379 = arith.minimumf %min3A, %gather3A_378 : vector<16xf32>
      %xor3A_380 = arith.constant 2 : i32
      %xor3A_381 = vector.broadcast %xor3A_380 : i32 to vector<16xi32>
      %xor3A_382 = arith.xori %iota3A_366, %xor3A_381 : vector<16xi32>
      %broadcast_in_dim3A_383 = vector.shape_cast %xor3A_382 : vector<16xi32> to vector<16x1xi32>
      %gather3A_384 = vector.shape_cast %broadcast_in_dim3A_383 : vector<16x1xi32> to vector<16xi32>
      %gather3A_385 = tpu.dynamic_gather %min3A_379[%gather3A_384] in [0] : vector<16xf32>, vector<16xi32> -> vector<16xf32>
      %min3A_386 = arith.minimumf %min3A_379, %gather3A_385 : vector<16xf32>
      %xor3A_387 = arith.constant 1 : i32
      %xor3A_388 = vector.broadcast %xor3A_387 : i32 to vector<16xi32>
      %xor3A_389 = arith.xori %iota3A_366, %xor3A_388 : vector<16xi32>
      %broadcast_in_dim3A_390 = vector.shape_cast %xor3A_389 : vector<16xi32> to vector<16x1xi32>
      %gather3A_391 = vector.shape_cast %broadcast_in_dim3A_390 : vector<16x1xi32> to vector<16xi32>
      %gather3A_392 = tpu.dynamic_gather %min3A_386[%gather3A_391] in [0] : vector<16xf32>, vector<16xi32> -> vector<16xf32>
      %min3A_393 = arith.minimumf %min3A_386, %gather3A_392 : vector<16xf32>
      %eq3A_394 = arith.cmpf oeq, %scan3A_336#0, %min3A_393 : vector<16xf32>
      %jit3A_395 = arith.constant 1.000000e+09 : f32
      %broadcast_in_dim3A_396 = vector.broadcast %jit3A_395 : f32 to vector<16xf32>
      %select_n3A_397 = arith.select %eq3A_394, %scan3A_336#1, %broadcast_in_dim3A_396 : vector<16xi1>, vector<16xf32>
      %iota3A_398 = tpu.iota {dimensions = array<i32: 0>} : vector<16xi32>
      %xor3A_399 = arith.constant 8 : i32
      %xor3A_400 = vector.broadcast %xor3A_399 : i32 to vector<16xi32>
      %xor3A_401 = arith.xori %iota3A_398, %xor3A_400 : vector<16xi32>
      %broadcast_in_dim3A_402 = vector.shape_cast %xor3A_401 : vector<16xi32> to vector<16x1xi32>
      %gather3A_403 = vector.shape_cast %broadcast_in_dim3A_402 : vector<16x1xi32> to vector<16xi32>
      %gather3A_404 = tpu.dynamic_gather %select_n3A_397[%gather3A_403] in [0] : vector<16xf32>, vector<16xi32> -> vector<16xf32>
      %min3A_405 = arith.minimumf %select_n3A_397, %gather3A_404 : vector<16xf32>
      %xor3A_406 = arith.constant 4 : i32
      %xor3A_407 = vector.broadcast %xor3A_406 : i32 to vector<16xi32>
      %xor3A_408 = arith.xori %iota3A_398, %xor3A_407 : vector<16xi32>
      %broadcast_in_dim3A_409 = vector.shape_cast %xor3A_408 : vector<16xi32> to vector<16x1xi32>
      %gather3A_410 = vector.shape_cast %broadcast_in_dim3A_409 : vector<16x1xi32> to vector<16xi32>
      %gather3A_411 = tpu.dynamic_gather %min3A_405[%gather3A_410] in [0] : vector<16xf32>, vector<16xi32> -> vector<16xf32>
      %min3A_412 = arith.minimumf %min3A_405, %gather3A_411 : vector<16xf32>
      %xor3A_413 = arith.constant 2 : i32
      %xor3A_414 = vector.broadcast %xor3A_413 : i32 to vector<16xi32>
      %xor3A_415 = arith.xori %iota3A_398, %xor3A_414 : vector<16xi32>
      %broadcast_in_dim3A_416 = vector.shape_cast %xor3A_415 : vector<16xi32> to vector<16x1xi32>
      %gather3A_417 = vector.shape_cast %broadcast_in_dim3A_416 : vector<16x1xi32> to vector<16xi32>
      %gather3A_418 = tpu.dynamic_gather %min3A_412[%gather3A_417] in [0] : vector<16xf32>, vector<16xi32> -> vector<16xf32>
      %min3A_419 = arith.minimumf %min3A_412, %gather3A_418 : vector<16xf32>
      %xor3A_420 = arith.constant 1 : i32
      %xor3A_421 = vector.broadcast %xor3A_420 : i32 to vector<16xi32>
      %xor3A_422 = arith.xori %iota3A_398, %xor3A_421 : vector<16xi32>
      %broadcast_in_dim3A_423 = vector.shape_cast %xor3A_422 : vector<16xi32> to vector<16x1xi32>
      %gather3A_424 = vector.shape_cast %broadcast_in_dim3A_423 : vector<16x1xi32> to vector<16xi32>
      %gather3A_425 = tpu.dynamic_gather %min3A_419[%gather3A_424] in [0] : vector<16xf32>, vector<16xi32> -> vector<16xf32>
      %min3A_426 = arith.minimumf %min3A_419, %gather3A_425 : vector<16xf32>
      %convert_element_type3A_427 = arith.fptosi %min3A_426 : vector<16xf32> to vector<16xi32>
      %slice3A = vector.extract_strided_slice %convert_element_type3A_427 {offsets = [0], sizes = [1], strides = [1]} : vector<16xi32> to vector<1xi32>
      %squeeze3A = vector.extract %slice3A[0] : i32 from vector<1xi32>
      %jit3A_428 = arith.constant 16 : i32
      %div3A_429 = arith.divsi %squeeze3A, %jit3A_428 : i32
      %sign3A_430 = arith.constant 0 : i32
      %sign3A_431 = arith.cmpi sgt, %squeeze3A, %sign3A_430 : i32
      %sign3A_432 = arith.extui %sign3A_431 : i1 to i32
      %sign3A_433 = arith.constant 0 : i32
      %sign3A_434 = arith.cmpi slt, %squeeze3A, %sign3A_433 : i32
      %sign3A_435 = arith.extui %sign3A_434 : i1 to i32
      %sign3A_436 = arith.subi %sign3A_432, %sign3A_435 : i32
      %sign3A_437 = arith.constant 0 : i32
      %sign3A_438 = arith.cmpi sgt, %jit3A_428, %sign3A_437 : i32
      %sign3A_439 = arith.extui %sign3A_438 : i1 to i32
      %sign3A_440 = arith.constant 0 : i32
      %sign3A_441 = arith.cmpi slt, %jit3A_428, %sign3A_440 : i32
      %sign3A_442 = arith.extui %sign3A_441 : i1 to i32
      %sign3A_443 = arith.subi %sign3A_439, %sign3A_442 : i32
      %ne3A_444 = arith.cmpi ne, %sign3A_436, %sign3A_443 : i32
      %rem3A_445 = arith.remsi %squeeze3A, %jit3A_428 : i32
      %ne3A_446 = arith.constant 0 : i32
      %ne3A_447 = arith.cmpi ne, %rem3A_445, %ne3A_446 : i32
      %and3A_448 = arith.andi %ne3A_444, %ne3A_447 : i1
      %sub3A_449 = arith.constant 1 : i32
      %sub3A_450 = arith.subi %div3A_429, %sub3A_449 : i32
      %select_n3A_451 = arith.select %and3A_448, %sub3A_450, %div3A_429 : i32
      %jit3A_452 = arith.constant 16 : i32
      %eq3A_453 = arith.constant 0 : i32
      %eq3A_454 = arith.cmpi eq, %jit3A_452, %eq3A_453 : i32
      %jit3A_455 = arith.constant 1 : i32
      %select_n3A_456 = arith.select %eq3A_454, %jit3A_455, %jit3A_452 : i32
      %rem3A_457 = arith.remsi %squeeze3A, %select_n3A_456 : i32
      %ne3A_458 = arith.constant 0 : i32
      %ne3A_459 = arith.cmpi ne, %rem3A_457, %ne3A_458 : i32
      %lt3A_460 = arith.constant 0 : i32
      %lt3A_461 = arith.cmpi slt, %rem3A_457, %lt3A_460 : i32
      %lt3A_462 = arith.constant 0 : i32
      %lt3A_463 = arith.cmpi slt, %select_n3A_456, %lt3A_462 : i32
      %ne3A_464 = arith.xori %lt3A_461, %lt3A_463 : i1
      %and3A_465 = arith.andi %ne3A_464, %ne3A_459 : i1
      %add3A_466 = arith.addi %rem3A_457, %select_n3A_456 : i32
      %select_n3A_467 = arith.select %and3A_465, %add3A_466, %rem3A_457 : i32
      %mul3A_468 = arith.constant 16 : i32
      %mul3A_469 = arith.muli %select_n3A_451, %mul3A_468 : i32
      %broadcast_in_dim3A_470 = vector.broadcast %select_n3A_467 : i32 to vector<16xi32>
      %get3A_471 = arith.index_cast %mul3A_469 : i32 to index
      %get3A_472 = tpu.vector_load %arg10[%get3A_471] {strides = array<i32>} : memref<1024xf32, #tpu.memory_space<vmem>>, vector<16xf32>,
      %get3A_473 = vector.shape_cast %get3A_472 : vector<16xf32> to vector<16xf32>
      %broadcast_in_dim3A_474 = vector.shape_cast %broadcast_in_dim3A_470 : vector<16xi32> to vector<16x1xi32>
      %gather3A_475 = vector.shape_cast %broadcast_in_dim3A_474 : vector<16x1xi32> to vector<16xi32>
      %gather3A_476 = tpu.dynamic_gather %get3A_473[%gather3A_475] in [0] : vector<16xf32>, vector<16xi32> -> vector<16xf32>
      %get3A_477 = arith.index_cast %mul3A_469 : i32 to index
      %get3A_478 = tpu.vector_load %arg11[%get3A_477] {strides = array<i32>} : memref<1024xf32, #tpu.memory_space<vmem>>, vector<16xf32>,
      %get3A_479 = vector.shape_cast %get3A_478 : vector<16xf32> to vector<16xf32>
      %broadcast_in_dim3A_480 = vector.shape_cast %broadcast_in_dim3A_470 : vector<16xi32> to vector<16x1xi32>
      %gather3A_481 = vector.shape_cast %broadcast_in_dim3A_480 : vector<16x1xi32> to vector<16xi32>
      %gather3A_482 = tpu.dynamic_gather %get3A_479[%gather3A_481] in [0] : vector<16xf32>, vector<16xi32> -> vector<16xf32>
      %sub3A_483 = arith.subf %div3A_323, %gather3A_476 : vector<16xf32>
      %sub3A_484 = arith.subf %div3A_329, %gather3A_482 : vector<16xf32>
      %mul3A_485 = arith.mulf %sub3A_483, %sub3A_483 : vector<16xf32>
      %mul3A_486 = arith.mulf %sub3A_484, %sub3A_484 : vector<16xf32>
      %add3A_487 = arith.addf %mul3A_485, %mul3A_486 : vector<16xf32>
      %eq3A_488 = arith.constant 0 : i32
      %eq3A_489 = vector.broadcast %eq3A_488 : i32 to vector<16xi32>
      %eq3A_490 = arith.cmpi eq, %iota3A, %eq3A_489 : vector<16xi32>
      %jit3A_491 = arith.constant 0.000000e+00 : f32
      %broadcast_in_dim3A_492 = vector.broadcast %jit3A_491 : f32 to vector<16xf32>
      %select_n3A_493 = arith.select %eq3A_490, %add3A_487, %broadcast_in_dim3A_492 : vector<16xi1>, vector<16xf32>
      %gt3A = arith.constant 5.000000e-01 : f32
      %gt3A_494 = vector.broadcast %gt3A : f32 to vector<16xf32>
      %gt3A_495 = arith.cmpf ogt, %max3A_365, %gt3A_494 : vector<16xf32>
      %select_n3A_496 = arith.select %gt3A_495, %scan3A_336#2, %select_n3A_493 : vector<16xi1>, vector<16xf32>
      %mul3A_497 = arith.mulf %gather3A_317, %select_n3A_496 : vector<16xf32>
      %add3A_498 = arith.addf %scan3A_298, %mul3A_497 : vector<16xf32>
      %eq3A_499 = vector.broadcast %select_n3A_467 : i32 to vector<16xi32>
      %eq3A_500 = arith.cmpi eq, %iota3A, %eq3A_499 : vector<16xi32>
      %sub3A_501 = arith.constant 1.000000e+00 : f32
      %sub3A_502 = vector.broadcast %sub3A_501 : f32 to vector<16xf32>
      %sub3A_503 = arith.subf %sub3A_502, %max3A_365 : vector<16xf32>
      %mul3A_504 = arith.mulf %sub3A_503, %gather3A_317 : vector<16xf32>
      %jit3A_505 = arith.constant 0.000000e+00 : f32
      %broadcast_in_dim3A_506 = vector.broadcast %jit3A_505 : f32 to vector<16xf32>
      %select_n3A_507 = arith.select %eq3A_500, %mul3A_504, %broadcast_in_dim3A_506 : vector<16xi1>, vector<16xf32>
      %get3A_508 = arith.index_cast %mul3A_469 : i32 to index
      %get3A_509 = tpu.vector_load %arg15[%get3A_508] {strides = array<i32>} : memref<1024xf32, #tpu.memory_space<vmem>>, vector<16xf32>,
      %get3A_510 = vector.shape_cast %get3A_509 : vector<16xf32> to vector<16xf32>
      %max3A_511 = arith.maximumf %get3A_510, %select_n3A_507 : vector<16xf32>
      %swap3A_512 = arith.index_cast %mul3A_469 : i32 to index
      %swap3A_513 = tpu.vector_load %arg15[%swap3A_512] {strides = array<i32>} : memref<1024xf32, #tpu.memory_space<vmem>>, vector<16xf32>,
      %swap3A_514 = vector.shape_cast %swap3A_513 : vector<16xf32> to vector<16xf32>
      %swap3A_515 = vector.shape_cast %max3A_511 : vector<16xf32> to vector<16xf32>
      tpu.vector_store %arg15[%swap3A_512], %swap3A_515 {strides = array<i32>} : memref<1024xf32, #tpu.memory_space<vmem>>, vector<16xf32>,
      scf.yield %add3A_498 : vector<16xf32>
    }
    %scan3A_255 = arith.constant 16 : i32
    %iota3A_256 = tpu.iota {dimensions = array<i32: 0>} : vector<16xi32>
    %xor3A = arith.constant 8 : i32
    %xor3A_257 = vector.broadcast %xor3A : i32 to vector<16xi32>
    %xor3A_258 = arith.xori %iota3A_256, %xor3A_257 : vector<16xi32>
    %broadcast_in_dim3A_259 = vector.shape_cast %xor3A_258 : vector<16xi32> to vector<16x1xi32>
    %gather3A_260 = vector.shape_cast %broadcast_in_dim3A_259 : vector<16x1xi32> to vector<16xi32>
    %gather3A_261 = tpu.dynamic_gather %scan3A_254[%gather3A_260] in [0] : vector<16xf32>, vector<16xi32> -> vector<16xf32>
    %add3A_262 = arith.addf %scan3A_254, %gather3A_261 : vector<16xf32>
    %xor3A_263 = arith.constant 4 : i32
    %xor3A_264 = vector.broadcast %xor3A_263 : i32 to vector<16xi32>
    %xor3A_265 = arith.xori %iota3A_256, %xor3A_264 : vector<16xi32>
    %broadcast_in_dim3A_266 = vector.shape_cast %xor3A_265 : vector<16xi32> to vector<16x1xi32>
    %gather3A_267 = vector.shape_cast %broadcast_in_dim3A_266 : vector<16x1xi32> to vector<16xi32>
    %gather3A_268 = tpu.dynamic_gather %add3A_262[%gather3A_267] in [0] : vector<16xf32>, vector<16xi32> -> vector<16xf32>
    %add3A_269 = arith.addf %add3A_262, %gather3A_268 : vector<16xf32>
    %xor3A_270 = arith.constant 2 : i32
    %xor3A_271 = vector.broadcast %xor3A_270 : i32 to vector<16xi32>
    %xor3A_272 = arith.xori %iota3A_256, %xor3A_271 : vector<16xi32>
    %broadcast_in_dim3A_273 = vector.shape_cast %xor3A_272 : vector<16xi32> to vector<16x1xi32>
    %gather3A_274 = vector.shape_cast %broadcast_in_dim3A_273 : vector<16x1xi32> to vector<16xi32>
    %gather3A_275 = tpu.dynamic_gather %add3A_269[%gather3A_274] in [0] : vector<16xf32>, vector<16xi32> -> vector<16xf32>
    %add3A_276 = arith.addf %add3A_269, %gather3A_275 : vector<16xf32>
    %xor3A_277 = arith.constant 1 : i32
    %xor3A_278 = vector.broadcast %xor3A_277 : i32 to vector<16xi32>
    %xor3A_279 = arith.xori %iota3A_256, %xor3A_278 : vector<16xi32>
    %broadcast_in_dim3A_280 = vector.shape_cast %xor3A_279 : vector<16xi32> to vector<16x1xi32>
    %gather3A_281 = vector.shape_cast %broadcast_in_dim3A_280 : vector<16x1xi32> to vector<16xi32>
    %gather3A_282 = tpu.dynamic_gather %add3A_276[%gather3A_281] in [0] : vector<16xf32>, vector<16xi32> -> vector<16xf32>
    %add3A_283 = arith.addf %add3A_276, %gather3A_282 : vector<16xf32>
    %mul3A_284 = arith.constant 5.000000e-01 : f32
    %mul3A_285 = vector.broadcast %mul3A_284 : f32 to vector<16xf32>
    %mul3A_286 = arith.mulf %add3A_283, %mul3A_285 : vector<16xf32>
    %eq3A_287 = arith.constant 0 : i32
    %eq3A_288 = vector.broadcast %eq3A_287 : i32 to vector<16xi32>
    %eq3A_289 = arith.cmpi eq, %iota3A, %eq3A_288 : vector<16xi32>
    %jit3A_290 = arith.constant 0.000000e+00 : f32
    %broadcast_in_dim3A_291 = vector.broadcast %jit3A_290 : f32 to vector<16xf32>
    %select_n3A_292 = arith.select %eq3A_289, %mul3A_286, %broadcast_in_dim3A_291 : vector<16xi1>, vector<16xf32>
    %swap3A_293 = arith.constant 0 : index
    %swap3A_294 = tpu.vector_load %arg16[%swap3A_293] {strides = array<i32>} : memref<16xf32, #tpu.memory_space<vmem>>, vector<16xf32>,
    %swap3A_295 = vector.shape_cast %swap3A_294 : vector<16xf32> to vector<16xf32>
    %swap3A_296 = vector.shape_cast %select_n3A_292 : vector<16xf32> to vector<16xf32>
    tpu.vector_store %arg16[%swap3A_293], %swap3A_296 {strides = array<i32>} : memref<16xf32, #tpu.memory_space<vmem>>, vector<16xf32>,
    "tpu.region"() ({
      %run_scoped3A = tpu.sem_alloc : memref<!tpu.dma_semaphore, #tpu.memory_space<semaphore_mem>>
      %dma_start3A = arith.constant 0 : i32
      %dma_start3A_297 = tpu.memref_slice %arg5[%add3A, %dma_start3A] : memref<32x16xf32, #tpu.memory_space<hbm>> -> memref<1x16xf32, #tpu.memory_space<hbm>>
      %dma_start3A_298 = tpu.memref_squeeze %dma_start3A_297 : memref<1x16xf32, #tpu.memory_space<hbm>> -> memref<16xf32, #tpu.memory_space<hbm>>
      %dma_start3A_299 = arith.constant 0 : i32
      %dma_start3A_300 = tpu.memref_slice %arg5[%add3A, %dma_start3A_299] : memref<32x16xf32, #tpu.memory_space<hbm>> -> memref<1x16xf32, #tpu.memory_space<hbm>>
      %dma_start3A_301 = tpu.memref_squeeze %dma_start3A_300 : memref<1x16xf32, #tpu.memory_space<hbm>> -> memref<16xf32, #tpu.memory_space<hbm>>
      tpu.enqueue_dma source(%arg16 : memref<16xf32, #tpu.memory_space<vmem>>) target(%dma_start3A_301 : memref<16xf32, #tpu.memory_space<hbm>>) target_semaphore(%run_scoped3A : memref<!tpu.dma_semaphore, #tpu.memory_space<semaphore_mem>>)
      %dma_wait3A = arith.constant 0 : i32
      %dma_wait3A_302 = tpu.memref_slice %arg5[%add3A, %dma_wait3A] : memref<32x16xf32, #tpu.memory_space<hbm>> -> memref<1x16xf32, #tpu.memory_space<hbm>>
      %dma_wait3A_303 = tpu.memref_squeeze %dma_wait3A_302 : memref<1x16xf32, #tpu.memory_space<hbm>> -> memref<16xf32, #tpu.memory_space<hbm>>
      %dma_wait3A_304 = arith.constant 0 : i32
      %dma_wait3A_305 = tpu.memref_slice %arg5[%add3A, %dma_wait3A_304] : memref<32x16xf32, #tpu.memory_space<hbm>> -> memref<1x16xf32, #tpu.memory_space<hbm>>
      %dma_wait3A_306 = tpu.memref_squeeze %dma_wait3A_305 : memref<1x16xf32, #tpu.memory_space<hbm>> -> memref<16xf32, #tpu.memory_space<hbm>>
      tpu.wait_dma2 semaphore(%run_scoped3A : memref<!tpu.dma_semaphore, #tpu.memory_space<semaphore_mem>>) src(%arg16 : memref<16xf32, #tpu.memory_space<vmem>>) dst(%dma_wait3A_306 : memref<16xf32, #tpu.memory_space<hbm>>)
      tpu.yield
    }) : () -> ()
    "tpu.region"() ({
      %run_scoped3A = tpu.sem_alloc : memref<!tpu.dma_semaphore, #tpu.memory_space<semaphore_mem>>
      %dma_start3A = arith.constant 0 : i32
      %dma_start3A_297 = tpu.memref_slice %arg4[%select_n3A, %select_n3A_30, %dma_start3A] : memref<16x2x1024xf32, #tpu.memory_space<hbm>> -> memref<1x1x1024xf32, #tpu.memory_space<hbm>>
      %dma_start3A_298 = tpu.memref_squeeze %dma_start3A_297 : memref<1x1x1024xf32, #tpu.memory_space<hbm>> -> memref<1024xf32, #tpu.memory_space<hbm>>
      %dma_start3A_299 = arith.constant 0 : i32
      %dma_start3A_300 = tpu.memref_slice %arg4[%select_n3A, %select_n3A_30, %dma_start3A_299] : memref<16x2x1024xf32, #tpu.memory_space<hbm>> -> memref<1x1x1024xf32, #tpu.memory_space<hbm>>
      %dma_start3A_301 = tpu.memref_squeeze %dma_start3A_300 : memref<1x1x1024xf32, #tpu.memory_space<hbm>> -> memref<1024xf32, #tpu.memory_space<hbm>>
      tpu.enqueue_dma source(%arg15 : memref<1024xf32, #tpu.memory_space<vmem>>) target(%dma_start3A_301 : memref<1024xf32, #tpu.memory_space<hbm>>) target_semaphore(%run_scoped3A : memref<!tpu.dma_semaphore, #tpu.memory_space<semaphore_mem>>)
      %dma_wait3A = arith.constant 0 : i32
      %dma_wait3A_302 = tpu.memref_slice %arg4[%select_n3A, %select_n3A_30, %dma_wait3A] : memref<16x2x1024xf32, #tpu.memory_space<hbm>> -> memref<1x1x1024xf32, #tpu.memory_space<hbm>>
      %dma_wait3A_303 = tpu.memref_squeeze %dma_wait3A_302 : memref<1x1x1024xf32, #tpu.memory_space<hbm>> -> memref<1024xf32, #tpu.memory_space<hbm>>
      %dma_wait3A_304 = arith.constant 0 : i32
      %dma_wait3A_305 = tpu.memref_slice %arg4[%select_n3A, %select_n3A_30, %dma_wait3A_304] : memref<16x2x1024xf32, #tpu.memory_space<hbm>> -> memref<1x1x1024xf32, #tpu.memory_space<hbm>>
      %dma_wait3A_306 = tpu.memref_squeeze %dma_wait3A_305 : memref<1x1x1024xf32, #tpu.memory_space<hbm>> -> memref<1024xf32, #tpu.memory_space<hbm>>
      tpu.wait_dma2 semaphore(%run_scoped3A : memref<!tpu.dma_semaphore, #tpu.memory_space<semaphore_mem>>) src(%arg15 : memref<1024xf32, #tpu.memory_space<vmem>>) dst(%dma_wait3A_306 : memref<1024xf32, #tpu.memory_space<hbm>>)
      tpu.yield
    }) : () -> ()
    return
  }
}

module attributes {stable_mosaic.version = 14 : i64} {
  func.func @_tc_focal_kernel(%arg0: memref<16x1000xf32, #tpu.memory_space<vmem>>, %arg1: memref<16x1000xf32, #tpu.memory_space<vmem>>, %arg2: memref<16x2x1024xf32, #tpu.memory_space<vmem>>, %arg3: memref<32x16xf32, #tpu.memory_space<vmem>>, %arg4: memref<1x1xf32, #tpu.memory_space<vmem>>, %arg5: memref<1x1xf32, #tpu.memory_space<vmem>>) attributes {dimension_semantics = [], scalar_prefetch = 0 : i64, scratch_operands = 0 : i64, tpu.core_type = #tpu.core_type<tc>} {
    %get3A = arith.constant 0 : index
    %get3A_0 = arith.constant 0 : index
    %get3A_1 = vector.load %arg0[%get3A, %get3A_0] : memref<16x1000xf32, #tpu.memory_space<vmem>>, vector<16x1000xf32>
    %get3A_2 = arith.constant 0 : index
    %get3A_3 = arith.constant 0 : index
    %get3A_4 = vector.load %arg1[%get3A_2, %get3A_3] : memref<16x1000xf32, #tpu.memory_space<vmem>>, vector<16x1000xf32>
    %get3A_5 = arith.constant 0 : index
    %get3A_6 = arith.constant 0 : index
    %get3A_7 = arith.constant 0 : index
    %get3A_8 = vector.load %arg2[%get3A_5, %get3A_6, %get3A_7] : memref<16x2x1024xf32, #tpu.memory_space<vmem>>, vector<16x2x1024xf32>
    %slice3A = vector.extract_strided_slice %get3A_8 {offsets = [0, 0, 0], sizes = [16, 1, 1000], strides = [1, 1, 1]} : vector<16x2x1024xf32> to vector<16x1x1000xf32>
    %squeeze3A = vector.shape_cast %slice3A : vector<16x1x1000xf32> to vector<16x1000xf32>
    %slice3A_9 = vector.extract_strided_slice %get3A_8 {offsets = [0, 1, 0], sizes = [16, 1, 1000], strides = [1, 1, 1]} : vector<16x2x1024xf32> to vector<16x1x1000xf32>
    %squeeze3A_10 = vector.shape_cast %slice3A_9 : vector<16x1x1000xf32> to vector<16x1000xf32>
    %add3A = arith.addf %squeeze3A, %squeeze3A_10 : vector<16x1000xf32>
    %gt3A = arith.constant 5.000000e-01 : f32
    %gt3A_11 = vector.broadcast %gt3A : f32 to vector<16x1000xf32>
    %gt3A_12 = arith.cmpf ogt, %add3A, %gt3A_11 : vector<16x1000xf32>
    %max3A = arith.maximumf %get3A_1, %get3A_4 : vector<16x1000xf32>
    %sub3A = arith.subf %get3A_1, %max3A : vector<16x1000xf32>
    %exp3A = math.exp %sub3A : vector<16x1000xf32>
    %sub3A_13 = arith.subf %get3A_4, %max3A : vector<16x1000xf32>
    %exp3A_14 = math.exp %sub3A_13 : vector<16x1000xf32>
    %add3A_15 = arith.addf %exp3A, %exp3A_14 : vector<16x1000xf32>
    %log3A = math.log %add3A_15 : vector<16x1000xf32>
    %add3A_16 = arith.addf %log3A, %max3A : vector<16x1000xf32>
    %sub3A_17 = arith.subf %get3A_1, %add3A_16 : vector<16x1000xf32>
    %sub3A_18 = arith.subf %get3A_4, %add3A_16 : vector<16x1000xf32>
    %div3A = arith.divf %exp3A, %add3A_15 : vector<16x1000xf32>
    %div3A_19 = arith.divf %exp3A_14, %add3A_15 : vector<16x1000xf32>
    %select_n3A = arith.select %gt3A_12, %sub3A_18, %sub3A_17 : vector<16x1000xi1>, vector<16x1000xf32>
    %select_n3A_20 = arith.select %gt3A_12, %div3A_19, %div3A : vector<16x1000xi1>, vector<16x1000xf32>
    %sub3A_21 = arith.constant 1.000000e+00 : f32
    %sub3A_22 = vector.broadcast %sub3A_21 : f32 to vector<16x1000xf32>
    %sub3A_23 = arith.subf %sub3A_22, %select_n3A_20 : vector<16x1000xf32>
    %mul3A = arith.mulf %sub3A_23, %sub3A_23 : vector<16x1000xf32>
    %mul3A_24 = arith.mulf %mul3A, %select_n3A : vector<16x1000xf32>
    %reduce_sum3A = vector.shape_cast %mul3A_24 : vector<16x1000xf32> to vector<1x16x1000xf32>
    %reduce_sum3A_25 = arith.constant dense<0.000000e+00> : vector<1xf32>
    %reduce_sum3A_26 = vector.multi_reduction <add>, %reduce_sum3A, %reduce_sum3A_25 [1, 2] : vector<1x16x1000xf32> to vector<1xf32>
    %reduce_sum3A_27 = vector.shape_cast %reduce_sum3A_26 : vector<1xf32> to vector<1x1x1xf32>
    %reduce_sum3A_28 = vector.extract %reduce_sum3A_27[0, 0, 0] : f32 from vector<1x1x1xf32>
    %div3A_29 = arith.constant 1.600000e+04 : f32
    %div3A_30 = arith.divf %reduce_sum3A_28, %div3A_29 : f32
    %neg3A = arith.constant 0.000000e+00 : f32
    %neg3A_31 = arith.subf %neg3A, %div3A_30 : f32
    %get3A_32 = arith.constant 0 : index
    %get3A_33 = arith.constant 0 : index
    %get3A_34 = vector.load %arg3[%get3A_32, %get3A_33] : memref<32x16xf32, #tpu.memory_space<vmem>>, vector<32x16xf32>
    %reduce_sum3A_35 = vector.shape_cast %get3A_34 : vector<32x16xf32> to vector<1x32x16xf32>
    %reduce_sum3A_36 = arith.constant dense<0.000000e+00> : vector<1xf32>
    %reduce_sum3A_37 = vector.multi_reduction <add>, %reduce_sum3A_35, %reduce_sum3A_36 [1, 2] : vector<1x32x16xf32> to vector<1xf32>
    %reduce_sum3A_38 = vector.shape_cast %reduce_sum3A_37 : vector<1xf32> to vector<1x1x1xf32>
    %reduce_sum3A_39 = vector.extract %reduce_sum3A_38[0, 0, 0] : f32 from vector<1x1x1xf32>
    %div3A_40 = arith.constant 1.600000e+01 : f32
    %div3A_41 = arith.divf %reduce_sum3A_39, %div3A_40 : f32
    %mul3A_42 = arith.constant 2.000000e+00 : f32
    %mul3A_43 = arith.mulf %neg3A_31, %mul3A_42 : f32
    %reshape3A = vector.broadcast %mul3A_43 : f32 to vector<1x1xf32>
    %swap3A = arith.constant 0 : index
    %swap3A_44 = arith.constant 0 : index
    %swap3A_45 = vector.load %arg4[%swap3A, %swap3A_44] : memref<1x1xf32, #tpu.memory_space<vmem>>, vector<1x1xf32>
    tpu.vector_store %arg4[%swap3A, %swap3A_44], %reshape3A {strides = array<i32>} : memref<1x1xf32, #tpu.memory_space<vmem>>, vector<1x1xf32>,
    %mul3A_46 = arith.constant 1.000000e+00 : f32
    %mul3A_47 = arith.mulf %div3A_41, %mul3A_46 : f32
    %reshape3A_48 = vector.broadcast %mul3A_47 : f32 to vector<1x1xf32>
    %swap3A_49 = arith.constant 0 : index
    %swap3A_50 = arith.constant 0 : index
    %swap3A_51 = vector.load %arg5[%swap3A_49, %swap3A_50] : memref<1x1xf32, #tpu.memory_space<vmem>>, vector<1x1xf32>
    tpu.vector_store %arg5[%swap3A_49, %swap3A_50], %reshape3A_48 {strides = array<i32>} : memref<1x1xf32, #tpu.memory_space<vmem>>, vector<1x1xf32>,
    return
  }
}

</mosaic_0001>

<sc_bundles>
// kernel: kernel.4.cloned.1.call-start
scs
__scs_entry_jumppad:
0x0: {  	(pc) =	sbr.rel $0x88, $3  }
0x1: {  	(tag) =	ssettag $0x0;
	lr =	simm.s32 $0x1  }
0x2: {  	[smem:$0x3F9C] =	sst lr;
	_ =	strace $0xD0000000  }
0x3: {  	_ = 	snop  }
0x4: {  	_ = 	snop  }
0x5: {  	_ = 	snop  }
0x6: {  	_ = 	snop  }
0x7: {  	_ = 	snop  }
__scs_overlays_trampoline_lowered:
0x8: {  	[smem:$0x3FAB] =	sst s0  }
0x9: {  	[smem:$0x3FAC] =	sst s1  }
0xa: {  	[smem:$0x3FAD] =	sst s2  }
0xb: {  	[smem:$0x3FAE] =	sst s3  }
0xc: {  	[smem:$0x3FAF] =	sst s4  }
0xd: {  	[smem:$0x3FB0] =	sst s5  }
0xe: {  	[smem:$0x3FB1] =	sst s6  }
0xf: {  	[smem:$0x3FB2] =	sst s7  }
0x10: {  	[smem:$0x3FB3] =	sst s8  }
0x11: {  	[smem:$0x3FB4] =	sst s9;
	s0 =	simm.s32 @!p0 $0x0  }
0x12: {  	s1 =	sld [smem:$0x3F9A];
	s0 =	simm.s32 @p0 $0x1  }
0x13: {  	[smem:$0x3FB5] =	sst s0;
	s0 =	simm.s32 @!p1 $0x0  }
0x14: {  	s2 =	sld [smem:$0x3F99];
	s0 =	simm.s32 @p1 $0x1  }
0x15: {  	[smem:$0x3FB6] =	sst s0;
	s0 =	simm.s32 @!p2 $0x0  }
0x16: {  	s3 =	sld [smem:$0x3FDB];
	s0 =	simm.s32 @p2 $0x1  }
0x17: {  	s4 =	simm.s32 $0x1BF5;
	[smem:$0x3FB8] =	sst s0  }
0x18: {  	s0 =	sld [smem:$0x3F9B];
	_ =	swait.ge [sflag:s4], $0x0  }
0x19: {  	s7 =	sld [smem:$0x3F9C]  }
0x1a: {  	s8 =	sadd.s32 $0xFFFFE003, lr  }
0x1b: {  	s9 =	sadd.s32 $0xFFFFFEF7, lr;
	s5 =	simm.s32 $0xFFFFFFFF;
	p2 =	slt.u32 s8, $0xFFFFF086  }
0x1c: {  	p1 =	slt.u32 s9, $0xF7A;
	s5 =	simm.s32 @!p2 $0x0  }
0x1d: {  	s5 =	simm.s32 @p1 $0x1;
	p0 =	seq.s32 s7, s2  }
0x1e: {  	s7 =	smul.u32 @!p0 $0xF7A, s2;
	p2 =	seq.s32 @!p0 s5, $0x0  }
0x1f: {  	s9 =	smul.u32 $0xF7A, s1;
	s8 =	simm.s32 @!p0 $0x1BF5;
	p2 =	por !p2, p0  }
0x20: {  	[sflag:s8] =	ssyncset.s32 @!p0 $0xFFFFF086;
	s6 =	sadd.s32 @!p0 s3, s7;
	s7 =	simm.s32 @!p0 $0x108  }
0x21: {  	s3 =	sadd.s32 s3, s9;
	s6 =	sadd.s32 @!p0 $0x88, s6;
	s7 =	simm.s32 @p2 $0x1082  }
0x22: {  	[simem:s7], [sflag:s8] =	dma.local @!p0 [hbm:s6], $0xF7A  }
0x23: {  	s9 =	sor.u32 $0xD0000000, s2;
	s6 =	simm.s32 $0x108;
	_ =	swait.ge @!p0 [sflag:s8], $0x0  }
0x24: {  	s3 =	sadd.s32 $0x88, s3;
	s6 =	simm.s32 @!p1 $0x1082;
	[sflag:s4] =	ssyncset.s32 $0xFFFFF086  }
0x25: {  	[simem:s6], [sflag:s4] =	dma.local [hbm:s3], $0xF7A  }
0x26: {  	[smem:$0x3F9C] =	sst s1;
	(tag) =	ssettag s2;
	_ =	strace s9  }
0x27: {  	s1 =	sld [smem:$0x3FAC]  }
0x28: {  	s2 =	sld [smem:$0x3FAD]  }
0x29: {  	s4 =	sld [smem:$0x3FAF]  }
0x2a: {  	p0 =	seq.s32 s5, $0x0;
	s5 =	sld [smem:$0x3FB0]  }
0x2b: {  	s6 =	sld [smem:$0x3FB1]  }
0x2c: {  	s7 =	sld [smem:$0x3FB2]  }
0x2d: {  	s3 =	simm.s32 $0x108;
	s8 =	sld [smem:$0x3FB3]  }
0x2e: {  	s3 =	simm.s32 @!p0 $0x1082;
	s9 =	sld [smem:$0x3FB4]  }
0x2f: {  	lr =	sadd.s32 s0, s3;
	s0 =	sld [smem:$0x3FAB]  }
0x30: {  	s3 =	sld [smem:$0x3FAE]  }
0x31: {  	[smem:$0x3FB7] =	sst s10  }
0x32: {  	s10 =	sld [smem:$0x3FB5];
	_ =	sdelay $0x3  }
0x33: {  	p0 =	seq.s32 s10, $0x1;
	s10 =	sld [smem:$0x3FB7];
	_ =	sdelay $0x3  }
0x34: {  	[smem:$0x3FB7] =	sst s10  }
0x35: {  	s10 =	sld [smem:$0x3FB6];
	_ =	sdelay $0x3  }
0x36: {  	p1 =	seq.s32 s10, $0x1;
	s10 =	sld [smem:$0x3FB7];
	_ =	sdelay $0x3  }
0x37: {  	[smem:$0x3FB7] =	sst s10  }
0x38: {  	s10 =	sld [smem:$0x3FB8]  }
0x39: {  	_ = 	snop;
	(pc) =	sbr.ind lr, $3  }
0x3a: {  	_ = 	snop  }
0x3b: {  	_ = 	snop  }
0x3c: {  	p2 =	seq.s32 s10, $0x1;
	s10 =	sld [smem:$0x3FB7]  }
0x3d: {  	_ =	shalt  }
0x3e: {  	_ =	shalt  }
0x3f: {  	_ =	shalt  }
0x40: {  	_ =	shalt  }
0x41: {  	_ =	shalt  }
0x42: {  	_ =	shalt  }
0x43: {  	_ =	shalt  }
0x44: {  	_ =	shalt  }
0x45: {  	_ =	shalt  }
0x46: {  	_ =	shalt  }
0x47: {  	_ =	shalt  }
0x48: {  	_ =	shalt  }
0x49: {  	_ =	shalt  }
0x4a: {  	_ =	shalt  }
0x4b: {  	_ =	shalt  }
0x4c: {  	_ =	shalt  }
0x4d: {  	_ =	shalt  }
0x4e: {  	_ =	shalt  }
0x4f: {  	_ =	shalt  }
0x50: {  	_ =	shalt  }
0x51: {  	_ =	shalt  }
0x52: {  	_ =	shalt  }
0x53: {  	_ =	shalt  }
0x54: {  	_ =	shalt  }
0x55: {  	_ =	shalt  }
0x56: {  	_ =	shalt  }
0x57: {  	_ =	shalt  }
0x58: {  	_ =	shalt  }
0x59: {  	_ =	shalt  }
0x5a: {  	_ =	shalt  }
0x5b: {  	_ =	shalt  }
0x5c: {  	_ =	shalt  }
0x5d: {  	_ =	shalt  }
0x5e: {  	_ =	shalt  }
0x5f: {  	_ =	shalt  }
0x60: {  	_ =	shalt  }
0x61: {  	_ =	shalt  }
0x62: {  	_ =	shalt  }
0x63: {  	_ =	shalt  }
0x64: {  	_ =	shalt  }
0x65: {  	_ =	shalt  }
0x66: {  	_ =	shalt  }
0x67: {  	_ =	shalt  }
0x68: {  	_ =	shalt  }
0x69: {  	_ =	shalt  }
0x6a: {  	_ =	shalt  }
0x6b: {  	_ =	shalt  }
0x6c: {  	_ =	shalt  }
0x6d: {  	_ =	shalt  }
0x6e: {  	_ =	shalt  }
0x6f: {  	_ =	shalt  }
0x70: {  	_ =	shalt  }
0x71: {  	_ =	shalt  }
0x72: {  	_ =	shalt  }
0x73: {  	_ =	shalt  }
0x74: {  	_ =	shalt  }
0x75: {  	_ =	shalt  }
0x76: {  	_ =	shalt  }
0x77: {  	_ =	shalt  }
0x78: {  	_ =	shalt  }
0x79: {  	_ =	shalt  }
0x7a: {  	_ =	shalt  }
0x7b: {  	_ =	shalt  }
0x7c: {  	_ =	shalt  }
0x7d: {  	_ =	shalt  }
0x7e: {  	_ =	shalt  }
0x7f: {  	_ =	shalt  }
0x80: {  	_ =	shalt  }
0x81: {  	_ =	shalt  }
0x82: {  	_ =	shalt  }
0x83: {  	_ =	shalt  }
0x84: {  	_ =	shalt  }
0x85: {  	_ =	shalt  }
0x86: {  	_ =	shalt  }
0x87: {  	_ =	shalt  }
.Lfunc_end0:
.L_simem_size_0:
called_computation_lowered:
.L_overlay_start_0:
0x88: {  	s2 =	sld [smem:$0x3FD9]  }
0x89: {  	s3 =	sld [smem:$0x3FFE];
	_ =	sdelay $0x1  }
0x8a: {  	s1 =	srdreg.scid  }
0x8b: {  	s0 =	sand.u32 $0x1, s1  }
0x8c: {  	s16 =	sshll.u32 s0, $0xA;
	s2 =	sadd.s32 s3, s2  }
0x8d: {  	s2 =	sadd.s32 s2, s16  }
0x8e: {  	[smem:$0x3FC3] =	sst s2  }
0x8f: {  	_ = 	snop  }
0x90: {  	(tm) =	ssettm $0x1  }
0x91: {  	s17 =	sld [smem:$0x3FFB];
	_ =	sdelay $0x3  }
0x92: {  	_ =	strace s17  }
0x93: {  	s2 =	sld [smem:$0x3FFC];
	_ =	sdelay $0x3  }
0x94: {  	_ =	strace s2  }
0x95: {  	s2 =	sld [smem:$0x3FFD];
	_ =	sdelay $0x3  }
0x96: {  	_ =	strace s2  }
0x97: {  	_ =	strace $0x8FFFFFFF  }
0x98: {  	s18 =	sld [smem:$0x3FDB];
	_ =	sdelay $0x1  }
0x99: {  	s19 =	simm.s32 $_scs_section_size  }
0x9a: {  	s4 =	simm.s32 $_size__tile_overlayer_lowered;
	s5 =	simm.s32 $_tile_overlayer_lowered  }
0x9b: {  	s22 =	simm.s32 $0x1BFF;
	s21 =	sshll.u32 s5, $0x1;
	s2 =	sadd.s32 s19, s18  }
0x9c: {  	s6 =	simm.s32 $0x0;
	s20 =	sshll.u32 s4, $0x1;
	s4 =	sadd.s32 s21, s2  }
0x9d: {  	[timem:s6], [sflag:s22] =	dma.local [hbm:s4], s20  }
0x9e: {  	_ =	swait.ge [sflag:s22], s20  }
0x9f: {  	s3 =	ssub.s32 $0x0, s20;
	[sflag:s22] =	ssyncset.done $0x0  }
0xa0: {  	[sflag:s22] =	ssyncadd.s32 s3;
	_ =	sdelay $0x1  }
0xa1: {  	s23 =	simm.s32 $0x1B8B  }
0xa2: {  	_ =	swait.ge [sflag:s23], $0x1  }
0xa3: {  	[sflag:s23] =	ssyncset.done $0x0  }
0xa4: {  	s25 =	simm.s32 $0x1B8E;
	s24 =	sld [smem:$0x3FFE];
	[sflag:s23] =	ssyncadd.s32 $0xFFFFFFFF  }
0xa5: {  	s26 =	simm.s32 $execute0_lowered;
	[smem:$0x3FD2] =	sst s25  }
0xa6: {  	s4 =	sshll.u32 s26, $0x1;
	_ =	strace $0x80000046;
	[dreg:$0x1] =	wrdreg $0xFFFFFFFF  }
0xa7: {  	s28 =	simm.s32 $_size_execute0_lowered;
	s2 =	sadd.s32 s2, s4;
	[dreg:$0x0] =	wrdreg $0x0  }
0xa8: {  	s4 =	sshll.u32 s28, $0x1;
	[dreg:$0x2] =	wrdreg s2  }
0xa9: {  	[dreg:$0x3] =	wrdreg s4  }
0xaa: {  	[dreg:$0x4] =	wrdreg $0xC0  }
0xab: {  	_ =	task [dreg:s6], $0x5FFFF  }
0xac: {  	[dreg:$0x1] =	wrdreg $0xFFFFFFFF  }
0xad: {  	[dreg:$0x0] =	wrdreg $0x60  }
0xae: {  	[dreg:$0x2] =	wrdreg s24  }
0xaf: {  	[dreg:$0x3] =	wrdreg $0x9  }
0xb0: {  	_ =	task.clear_ibuf [dreg:s6], $0x4FFFF;
	_ =	strace $0x90000046  }
0xb1: {  	s29 =	simm.s32 $0x9;
	_ =	strace $0x80000048  }
0xb2: {  	_ =	swait.ge [sflag:s29], $0x1  }
0xb3: {  	[sflag:s29] =	ssyncadd.s32 $0xFFFFFFFF  }
0xb4: {  	_ =	strace $0x90000048  }
0xb5: {  	_ =	sfence  }
0xb6: {  	s30 =	sld [smem:$0x0];
	_ =	sdelay $0x2  }
0xb7: {  	s31 =	sshll.u32 s1, $0xD;
	s1 =	sshrl.u32 s1, $0x2  }
0xb8: {  	s3 =	sand.u32 $0x4000, s31;
	s1 =	sadd.s32 s1, s30  }
0xb9: {  	s0 =	sor.u32 s3, s0;
	s1 =	sshll.u32 s1, $0x11  }
0xba: {  	s0 =	sor.u32 s1, s0  }
0xbb: {  	s0 =	sadd.s32 $0x8F2B, s0  }
0xbc: {  	[sflag:s0] =	ssyncadd.remote.s32 $0x1  }
0xbd: {  	_ =	sfence.sel $0xFFFF  }
0xbe: {  	[dreg:$0x0] =	wrdreg $0xFFFFFFFF;
	(pc) =	sbr.abs _section_cstart, $3  }
0xbf: {  	[dreg:$0x1] =	wrdreg $0xFFFFFFFF  }
0xc0: {  	_ =	task.clear_ibuf [dreg:s6], $0x2FFFF;
	_ =	strace $0x9FFFFFFF  }
0xc1: {  	(tm) =	ssettm $0x7FFFFFFF  }
tec
execute0_lowered:
.L_overlay_start_1:
0x0: {  	(tag) =	ssettag $0x1  }
0x1: {  	v0 =	vimm.f32 $1.800000000e+02  }
0x2: {  	v1 =	vimm.f32 $1.500000000e+01;
	vm0 =	vcmask $0x300;
	v2 =	vimm.f32 $6.000000000e+02  }
0x3: {  	s4 =	rddreg [dreg:$0x0];
	s1 =	simm.s32 $0x0;
	v6 =	vimm.s32 $0xFEDCBA98;
	v7 =	vimm.s32 $0x76543210;
	v8 =	vimm.s32 $0x32107654  }
0x4: {  	vm1 =	vcmask $0x1F1C;
	v10 =	vimm.s32 $0xDCFE98BA;
	v11 =	vimm.s32 $0x54761032;
	[smem:$0x7FF] =	sst s1  }
0x5: {  	s0 =	rddreg [dreg:$0x1];
	v12 =	vimm.s32 $0xEFCDAB89;
	v13 =	vimm.s32 $0x67452301;
	_ =	strace $0x80000047  }
0x6: {  	(erf) = vrcp.f32 v0;
	v0 =	vsel vm0, $0x0, v1;
	vm0 =	vcmask $0x704  }
0x7: {  	v6 =	vunpack.c.l.s4.s8 v6;
	v1 =	vsel vm0, $0x3F800000, v0;
	vm0 =	vcmask $0xB08  }
0x8: {  	v0 =	vlaneseq.u32;
	v1 =	vsel vm0, $0x40000000, v1;
	vm0 =	vcmask $0xF0C  }
0x9: {  	s3 =	srdreg.scid;
	s2 =	stileid.u32;
	s16 =	simm.s32 $0x100;
	v3 =	vand.u32 $0x7, v0;
	v4 =	vsel vm0, $0x40400000, v1;
	vm0 =	vcmask $0x1310  }
0xa: {  	s17 =	simm.s32 $0x1A00;
	s5 =	sand.u32 $0x1, s3;
	s24 =	sshll.u32 s2, $0x1;
	v1 =	vmul.u32 $0x2, v3;
	v3 =	vsel vm0, $0x40800000, v4;
	vm0 =	vcmask $0x1714  }
0xb: {  	s18 =	simm.s32 $0x0;
	s3 =	simm.s32 $0x1;
	v8 =	vunpack.c.l.s4.s8 v8;
	s6 =	sor.u32 s5, s24;
	v3 =	vsel vm0, $0x40A00000, v3;
	vm0 =	vcmask $0x1B18  }
0xc: {  	s8 =	sadd.s32 $0x1800, s4;
	v10 =	vunpack.c.l.s4.s8 v10;
	v11 =	vunpack.c.l.s4.s8 v11;
	p1 =	seq.s32 s5, $0x1;
	p0 =	seq.s32 s6, $0x0;
	v3 =	vsel vm0, $0x40C00000, v3  }
0xd: {  	s11 =	sadd.s32 $0x3800, s4;
	v12 =	vunpack.c.l.s4.s8 v12;
	s9 =	sshll.u32 s5, $0x7;
	p0 =	por !p0, !p1;
	v4 =	vsel vm1, $0x40E00000, v3;
	vm1 =	vcmask $0x2320  }
0xe: {  	v13 =	vunpack.c.l.s4.s8 v13;
	s25 =	ssub.s32 $0x2, s5;
	s6 =	sshll.u32 s6, $0x4;
	p0 =	por !p0, !p0;
	v5 =	vsel vm1, $0x41000000, v4;
	vm1 =	vcmask $0x2724  }
0xf: {  	v6 =	vunpack.c.0.s8.s32 v6;
	s5 =	sshrl.u32 s25, $0x1;
	s14 =	sadd.s32 s6, s4;
	s3 =	simm.s32 @!p0 $0x0;
	v5 =	vsel vm1, $0x41100000, v5;
	vm1 =	vcmask $0x2B28  }
0x10: {  	v10 =	vunpack.c.0.s8.s32 v10;
	s15 =	ssub.s32 s25, s5;
	s7 =	ssub.s32 s2, s3;
	s3 =	simm.s32 $0x1;
	v5 =	vsel vm1, $0x41200000, v5;
	vm1 =	vcmask $0x2F2C  }
0x11: {  	(erf) = vrcp.f32 v2;
	s10 =	sshll.u32 s7, $0xB;
	s12 =	sshrl.u32 s7, $0x2;
	s7 =	sshll.u32 s7, $0x8;
	v5 =	vsel vm1, $0x41300000, v5;
	vm1 =	vcmask $0x3330  }
0x12: {  	v11 =	vunpack.c.0.s8.s32 v11;
	s10 =	sor.u32 s9, s10;
	s7 =	sand.u32 $0x300, s7;
	s13 =	sshll.u32 s12, $0xE;
	v5 =	vsel vm1, $0x41400000, v5;
	vm1 =	vcmask $0x3734  }
0x13: {  	s12 =	sshll.u32 s12, $0xA;
	s10 =	sshrl.u32 s10, $0x3;
	s26 =	sor.u32 s7, s13;
	v9 =	vsel vm1, $0x41500000, v5;
	v5 =	vunpack.c.l.s4.s8 v7;
	v7 =	vimm.s32 $0xBA98FEDC  }
0x14: {  	v8 =	vunpack.c.0.s8.s32 v8;
	v12 =	vunpack.c.0.s8.s32 v12;
	s29 =	sor.u32 $0x80, s7;
	s7 =	sor.u32 s7, s12;
	s10 =	sadd.s32 s10, s4;
	v7 =	vunpack.c.l.s4.s8 v7  }
0x15: {  	v13 =	vunpack.c.0.s8.s32 v13;
	v15 =	vand.u32 $0xF, v6;
	v6 =	vcombine.low v11, v10;
	s28 =	sshrl.u32 s26, $0x3;
	s30 =	sor.u32 s13, s29;
	s7 =	sshrl.u32 s7, $0x3  }
0x16: {  	v2 =	vor.u32 $0x1, v1;
	vm0 =	vmmov $0xff;
	s12 =	sor.u32 s12, s29;
	s13 =	simm.s32 $0x400;
	s4 =	sadd.s32 s8, s28;
	v7 =	vunpack.c.0.s8.s32 v7  }
0x17: {  	v3 =	vimm.f32 $2.000000000e+09;
	v4 =	vimm.f32 $0.0e+00;
	s6 =	sshrl.u32 s30, $0x3;
	s31 =	sshrl.u32 s12, $0x3;
	s10 =	sadd.s32 $0x3A00, s10;
	v14 =	vunpack.c.0.s8.s32 v5  }
0x18: {  	s12 =	simm.s32 $0x80;
	s5 =	sadd.s32 s8, s6;
	s6 =	sadd.s32 s11, s7;
	vm1 =	vcmask $0x3B38;
	v5 =	vcombine.low v8, v7;
	v7 =	vcombine.low v13, v12  }
0x19: {  	s7 =	sshrl.u32 s9, $0x2;
	s8 =	sadd.s32 s11, s31;
	s9 =	sadd.s32 $0x4A00, s14;
	v9 =	vsel vm1, $0x41600000, v9;
	vm1 =	vmmov $0x1;
	v10 =	vcombine.low v15, v14;
	v8 =	vpop (erf)  }
0x1a: {  	s11 =	smax.u32 s15, $0x1;
	s14 =	simm.s32 $0x800;
	s15 =	simm.s32 $0x1E00;
	v13 =	vand.u32 $0xF, v6;
	v12 =	vpop (erf);
	v11 =	vand.u32 $0xF, v5;
	v14 =	vand.u32 $0xF, v7  }
.LBB2_1:
0x1b: {  	[tilespmem:s1], [sflag:$0x1] =	stream.strided.gather [hbm4b:s4+s12], $0x800, s13, s12, $0x38;
	[tilespmem:$0x1E80] =	vst v63  }
0x1c: {  	_ =	swait.ge [sflag:s3], $0x800  }
0x1d: {  	[sflag:s3] =	ssyncset.done $0x0  }
0x1e: {  	s20 =	simm.s32 $0x10;
	[sflag:s3] =	ssyncadd.s32 $0xFFFFF800  }
0x1f: {  	v16 =	vld [tilespmem:s20+$0xFFFFFFF0]  }
0x20: {  	s21 =	simm.s32 $0x40;
	s19 =	simm.s32 $0x0;
	v15 =	vld [tilespmem:s20+$0x0]  }
.LBB2_2:
0x21: {  	p0 =	sne.s32 s21, $0xF40;
	_ =	sdelay $0x2  }
0x22: {  	v17 =	vperm.xlane v16, v1  }
0x23: {  	v16 =	vperm.xlane v16, v2;
	v18 =	vperm.xlane v15, v2  }
0x24: {  	v15 =	vperm.xlane v15, v1  }
.Ltmp0:
0x25: {  	s22 =	sshra.s32 s19, $0x2;
	s19 =	smov.u32 s21;
	v16 =	vsel vm0, v16, v18;
	(pc) =	sbr.rel @p0 .LBB2_2-.Ltmp0, $4  }
0x26: {  	v15 =	vsel vm0, v17, v15;
	[tilespmem:s22+$0xC80] =	vst v16  }
0x27: {  	s20 =	sadd.s32 $0x20, s20;
	[tilespmem:s22+$0x880] =	vst v15  }
0x28: {  	v16 =	vld [tilespmem:s20+$0xFFFFFFF0]  }
0x29: {  	s21 =	sadd.s32 $0x40, s21;
	v15 =	vld [tilespmem:s20+$0x0]  }
0x2a: {  	_ =	sdelay $0x3  }
0x2b: {  	v17 =	vperm.xlane v16, v2;
	v18 =	vperm.xlane v15, v2  }
0x2c: {  	v16 =	vperm.xlane v16, v1;
	v15 =	vperm.xlane v15, v1  }
0x2d: {  	s19 =	sshra.s32 s19, $0x2;
	v17 =	vsel vm0, v17, v18  }
0x2e: {  	v15 =	vsel vm0, v16, v15;
	[tilespmem:s19+$0xC80] =	vst v17  }
0x2f: {  	[tilespmem:s19+$0x880] =	vst v15  }
0x30: {  	v15 =	vld [tilespmem:$0x7C0];
	_ =	sdelay $0x4  }
0x31: {  	v16 =	vperm.xlane v15, v1  }
0x32: {  	[tilespmem:$0xC70] =	vst v3;
	v15 =	vperm.xlane v15, v2  }
0x33: {  	[tilespmem:$0x1070] =	vst v3;
	v16 =	vnsel vm0, $0x4EEE6B28, v16  }
0x34: {  	v15 =	vnsel vm0, $0x4EEE6B28, v15;
	[tilespmem:$0xC60] =	vst v16  }
0x35: {  	s19 =	simm.s32 $0x0;
	[tilespmem:$0x1060] =	vst v15  }
0x36: {  	[tilespmem:s19], [sflag:$0x1] =	stream.strided.gather [hbm4b:s5+s12], $0x800, s13, s12, $0x38;
	[tilespmem:$0x1E80] =	vst v63  }
0x37: {  	_ =	swait.ge [sflag:s3], $0x800  }
0x38: {  	[sflag:s3] =	ssyncset.done $0x0  }
0x39: {  	s20 =	simm.s32 $0x10;
	[sflag:s3] =	ssyncadd.s32 $0xFFFFF800  }
0x3a: {  	v16 =	vld [tilespmem:s20+$0xFFFFFFF0]  }
0x3b: {  	s21 =	simm.s32 $0x40;
	v15 =	vld [tilespmem:s20+$0x0]  }
.LBB2_4:
0x3c: {  	p0 =	sne.s32 s21, $0xF40;
	_ =	sdelay $0x2  }
0x3d: {  	v17 =	vperm.xlane v16, v1  }
0x3e: {  	v16 =	vperm.xlane v16, v2;
	v18 =	vperm.xlane v15, v2  }
0x3f: {  	v15 =	vperm.xlane v15, v1  }
.Ltmp1:
0x40: {  	s22 =	sshra.s32 s19, $0x2;
	s19 =	smov.u32 s21;
	v16 =	vsel vm0, v16, v18;
	(pc) =	sbr.rel @p0 .LBB2_4-.Ltmp1, $4  }
0x41: {  	v15 =	vsel vm0, v17, v15;
	[tilespmem:s22+$0x1480] =	vst v16  }
0x42: {  	s20 =	sadd.s32 $0x20, s20;
	[tilespmem:s22+$0x1080] =	vst v15  }
0x43: {  	v16 =	vld [tilespmem:s20+$0xFFFFFFF0]  }
0x44: {  	s21 =	sadd.s32 $0x40, s21;
	v15 =	vld [tilespmem:s20+$0x0]  }
0x45: {  	_ =	sdelay $0x3  }
0x46: {  	v17 =	vperm.xlane v16, v2;
	v18 =	vperm.xlane v15, v2  }
0x47: {  	v62 =	vperm.xlane v16, v1;
	v15 =	vperm.xlane v15, v1  }
0x48: {  	s19 =	sshra.s32 s19, $0x2;
	v17 =	vsel vm0, v17, v18  }
0x49: {  	v15 =	vsel vm0, v62, v15;
	[tilespmem:s19+$0x1480] =	vst v17  }
0x4a: {  	[tilespmem:s19+$0x1080] =	vst v15  }
0x4b: {  	v15 =	vld [tilespmem:$0x7C0];
	_ =	sdelay $0x4  }
0x4c: {  	v63 =	vperm.xlane v15, v1  }
0x4d: {  	[tilespmem:$0x1470] =	vst v3;
	v15 =	vperm.xlane v15, v2  }
0x4e: {  	[tilespmem:$0x1870] =	vst v3;
	v16 =	vnsel vm0, $0x4EEE6B28, v63  }
0x4f: {  	v15 =	vnsel vm0, $0x4EEE6B28, v15;
	[tilespmem:$0x1460] =	vst v16  }
0x50: {  	s20 =	simm.s32 $0x0;
	s19 =	simm.s32 $0x40;
	[tilespmem:$0x1860] =	vst v15  }
.LBB2_6:
0x51: {  	p0 =	sne.s32 s19, $0xFC0;
	[tilespmem:s20+$0x1A00] =	vst v4;
	s20 =	smov.u32 s19;
	s19 =	sadd.s32 $0x40, s19  }
.Ltmp2:
0x52: {  	(pc) =	sbr.rel @p0 .LBB2_6-.Ltmp2, $2  }
0x53: {  	_ =	sdelay $0x2  }
0x54: {  	s20 =	sshra.s32 s20, $0x2  }
0x55: {  	[tilespmem:s20+$0x1A00] =	vst v4;
	s19 =	simm.s32 $0x0  }
0x56: {  	[tilespmem:s14], [sflag:$0x1] =	stream.linear.gather [hbm4b:s6+s19], $0x80, $0x38;
	[tilespmem:$0x1E80] =	vst v63  }
0x57: {  	_ =	swait.ge [sflag:s3], $0x80  }
0x58: {  	[sflag:s3] =	ssyncset.done $0x0  }
0x59: {  	[sflag:s3] =	ssyncadd.s32 $0xFFFFFF80  }
0x5a: {  	v15 =	vld [tilespmem:s7+$0x800]  }
0x5b: {  	v16 =	vld [tilespmem:s7+$0x810];
	_ =	sdelay $0x4  }
0x5c: {  	v17 =	vperm.xlane v15, v1;
	v18 =	vperm.xlane v16, v1  }
0x5d: {  	v15 =	vperm.xlane v15, v2;
	v16 =	vperm.xlane v16, v2  }
0x5e: {  	v17 =	vsel vm0, v17, v18  }
0x5f: {  	v15 =	vsel vm0, v15, v16;
	[tilespmem:$0x1880] =	vst v17  }
0x60: {  	[tilespmem:$0x1900] =	vst v15  }
0x61: {  	[tilespmem:s14], [sflag:$0x1] =	stream.linear.gather [hbm4b:s8+s19], $0x80, $0x38;
	[tilespmem:$0x1E80] =	vst v63  }
0x62: {  	_ =	swait.ge [sflag:s3], $0x80  }
0x63: {  	[sflag:s3] =	ssyncset.done $0x0  }
0x64: {  	[sflag:s3] =	ssyncadd.s32 $0xFFFFFF80  }
0x65: {  	v15 =	vld [tilespmem:s7+$0x800]  }
0x66: {  	v16 =	vld [tilespmem:s7+$0x810];
	_ =	sdelay $0x4  }
0x67: {  	v15 =	vperm.xlane v15, v1;
	v16 =	vperm.xlane v16, v1;
	_ =	sdelay $0x1  }
0x68: {  	v15 =	vsel vm0, v15, v16  }
0x69: {  	vm2 =	vlt.f32 v15, $-1.000000000e+03;
	vm3 =	vgt.f32 v15, $-1.000000000e+03  }
0x6a: {  	v15 =	vimm.f32 $0.0e+00;
	vm2 =	vmor vm3, vm2  }
0x6b: {  	v16 =	vsel vm2, $0x3F800000, v15  }
0x6c: {  	[tilespmem:$0x1980] =	vst v16;
	v16 =	vimm.f32 $0.0e+00  }
.LBB2_8:
0x6d: {  	v17 =	vld [tilespmem:$0x1880]  }
0x6e: {  	v18 =	vld [tilespmem:$0x1900]  }
0x6f: {  	v20 =	vld [tilespmem:$0x1980];
	s20 =	simm.s32 $0x0  }
0x70: {  	v19 =	vmov s19;
	v24 =	vld [tilespmem:s20+$0x14B0]  }
0x71: {  	v19 =	vand.u32 $0xF, v19;
	v26 =	vld [tilespmem:s20+$0xCB0]  }
0x72: {  	v28 =	vld [tilespmem:s20+$0x8B0];
	v23 =	vbroadcast v19, $0x0  }
0x73: {  	v29 =	vld [tilespmem:s20+$0x8A0]  }
0x74: {  	v27 =	vadd.f32 $1.600000000e+01, v9;
	v30 =	vld [tilespmem:s20+$0x14A0];
	v18 =	vperm.xlane v18, v23  }
0x75: {  	v31 =	vld [tilespmem:s20+$0x10A0];
	v17 =	vperm.xlane v17, v23  }
0x76: {  	v32 =	vld [tilespmem:s20+$0xC90];
	v22 =	vadd.f32 $1.600000000e+01, v27;
	v19 =	vadd.f32 $3.000000000e+02, v18  }
0x77: {  	v34 =	vld [tilespmem:s20+$0x890];
	v17 =	vadd.f32 $9.000000000e+01, v17  }
0x78: {  	v36 =	vld [tilespmem:s20+$0xC80];
	v21 =	vadd.f32 $1.600000000e+01, v22;
	v19 =	vmul.f32 v19, v12  }
0x79: {  	v39 =	vld [tilespmem:s20+$0x880];
	v18 =	vmul.f32 v17, v8  }
0x7a: {  	v42 =	vld [tilespmem:s20+$0xCA0];
	v17 =	vperm.xlane v20, v23;
	v23 =	vadd.f32 $1.600000000e+01, v21;
	v20 =	vsub.f32 v19, v24  }
0x7b: {  	v24 =	vsub.f32 v18, v28;
	v29 =	vsub.f32 v18, v29  }
0x7c: {  	v35 =	vsub.f32 v19, v26;
	v31 =	vsub.f32 v18, v31  }
0x7d: {  	v30 =	vsub.f32 v19, v30;
	v34 =	vsub.f32 v18, v34  }
0x7e: {  	v33 =	vimm.f32 $3.000000010e+38;
	v25 =	vld [tilespmem:s20+$0x10B0];
	v36 =	vsub.f32 v19, v36;
	v32 =	vsub.f32 v19, v32  }
0x7f: {  	v37 =	vld [tilespmem:s20+$0x1080];
	v59 =	vsub.f32 v18, v39;
	v63 =	vsub.f32 v19, v42;
	v20 =	vmul.f32 v20, v20  }
0x80: {  	v57 =	vld [tilespmem:s20+$0x1480];
	v26 =	vmul.f32 v24, v24;
	v38 =	vand.u32 $0x7FFFFFFF, v29;
	v24 =	vand.u32 $0x7FFFFFFF, v24  }
0x81: {  	v58 =	vld [tilespmem:s20+$0x1490];
	v40 =	vand.u32 $0x7FFFFFFF, v35;
	v31 =	vmul.f32 v31, v31;
	v29 =	vmul.f32 v29, v29  }
0x82: {  	v30 =	vmul.f32 v30, v30;
	v35 =	vmul.f32 v35, v35;
	v60 =	vand.u32 $0x7FFFFFFF, v36  }
0x83: {  	v36 =	vmul.f32 v36, v36;
	v41 =	vmul.f32 v59, v59;
	v43 =	vand.u32 $0x7FFFFFFF, v32  }
0x84: {  	v44 =	vmul.f32 v32, v32;
	v62 =	vmul.f32 v34, v34;
	vm4 =	vlt.f32 v38, $3.333333510e-02  }
0x85: {  	v28 =	vld [tilespmem:s20+$0x1090];
	vm3 =	vlt.f32 v24, $3.333333510e-02;
	v24 =	vsub.f32 v18, v25;
	v25 =	vsub.f32 v18, v37  }
0x86: {  	vm2 =	vlt.f32 v40, $3.333333510e-02;
	v40 =	vsub.f32 v19, v58;
	v38 =	vsub.f32 v19, v57  }
0x87: {  	v37 =	vand.u32 $0x7FFFFFFF, v59;
	vm5 =	vlt.f32 v43, $3.333333510e-02;
	v43 =	vmul.f32 v63, v63  }
0x88: {  	vm2 =	vmand vm3, vm2;
	vm3 =	vlt.f32 v60, $3.333333510e-02;
	v36 =	vadd.f32 v36, v41  }
0x89: {  	v30 =	vadd.f32 v30, v31;
	v31 =	vand.u32 $0x7FFFFFFF, v34;
	vm7 =	vlt.f32 v37, $3.333333510e-02  }
0x8a: {  	v42 =	vadd.f32 v44, v62;
	v28 =	vsub.f32 v18, v28;
	v25 =	vmul.f32 v25, v25  }
0x8b: {  	v38 =	vmul.f32 v38, v38;
	vm7 =	vmand vm7, vm3;
	vm3 =	vlt.f32 v31, $3.333333510e-02  }
0x8c: {  	v61 =	vmul.f32 v40, v40;
	vm6 =	vlt.f32 v36, v33;
	vm3 =	vmand vm3, vm5  }
0x8d: {  	v40 =	vld [tilespmem:s20+$0x1A00];
	v28 =	vmul.f32 v28, v28;
	v39 =	vsel vm6, v36, v33;
	v25 =	vadd.f32 v38, v25  }
0x8e: {  	v31 =	vsel vm6, v9, v15;
	v38 =	vnsel vm7, $0x0, v17;
	v36 =	vnsel vm3, $0x0, v17  }
0x8f: {  	vm5 =	vlt.f32 v42, v39;
	v32 =	vadd.f32 v61, v28;
	v28 =	vand.u32 $0x7FFFFFFF, v63  }
0x90: {  	v34 =	vld [tilespmem:s20+$0x1A30];
	v37 =	vnsel vm7, $0x0, v25;
	v41 =	vsel vm5, v27, v31;
	vm6 =	vlt.f32 v28, $3.333333510e-02  }
0x91: {  	s21 =	simm.s32 $0x100;
	v25 =	vimm.f32 $0.0e+00;
	v27 =	vimm.f32 $0.0e+00;
	v28 =	vld [tilespmem:s20+$0x1A10];
	vm4 =	vmand vm4, vm6  }
.LBB2_9:
0x92: {  	s22 =	sshra.s32 s21, $0x2;
	p0 =	sne.s32 s21, $0xF00;
	s21 =	sadd.s32 $0x100, s21;
	v40 =	vmax.f32 v40, v38;
	v44 =	vld [tilespmem:s20+$0x1A20];
	v35 =	vadd.f32 v35, v26;
	v24 =	vmul.f32 v24, v24;
	v33 =	vmovc v23  }
0x93: {  	v31 =	vadd.f32 $1.600000000e+01, v23;
	v26 =	vnsel vm4, $0x0, v30;
	v30 =	vnsel vm2, $0x0, v17;
	v23 =	vld [tilespmem:s22+$0x14B0];
	[tilespmem:s20+$0x1A00] =	vst v40  }
0x94: {  	v25 =	vadd.f32 v37, v25;
	v32 =	vnsel vm3, $0x0, v32;
	v40 =	vld [tilespmem:s22+$0x10B0];
	v24 =	vadd.f32 v20, v24  }
0x95: {  	v27 =	vmax.f32 v27, v38;
	v29 =	vadd.f32 v43, v29;
	v20 =	vadd.f32 $1.600000000e+01, v31;
	v37 =	vld [tilespmem:s22+$0xCB0]  }
0x96: {  	v39 =	vsel vm5, v42, v39;
	v25 =	vadd.f32 v32, v25;
	v32 =	vnsel vm4, $0x0, v17;
	v38 =	vld [tilespmem:s22+$0x8B0]  }
0x97: {  	v28 =	vmax.f32 v28, v36;
	vm3 =	vlt.f32 v29, v39;
	v43 =	vadd.f32 $1.600000000e+01, v20;
	v42 =	vld [tilespmem:s22+$0x14A0]  }
0x98: {  	v45 =	vld [tilespmem:s22+$0x8A0];
	v46 =	vsub.f32 v19, v23;
	[tilespmem:s20+$0x1A10] =	vst v28;
	v28 =	vsel vm3, v29, v39;
	v39 =	vsel vm3, v22, v41  }
0x99: {  	v25 =	vadd.f32 v26, v25;
	v26 =	vmax.f32 v44, v32;
	v23 =	vadd.f32 $1.600000000e+01, v43;
	v22 =	vmovc v20;
	v29 =	vld [tilespmem:s22+$0x10A0]  }
0x9a: {  	v27 =	vmax.f32 v27, v36;
	v24 =	vnsel vm2, $0x0, v24;
	v41 =	vld [tilespmem:s22+$0xC90];
	v20 =	vmul.f32 v46, v46;
	[tilespmem:s20+$0x1A20] =	vst v26  }
0x9b: {  	v37 =	vsub.f32 v19, v37;
	v26 =	vmax.f32 v27, v32;
	v36 =	vld [tilespmem:s22+$0x1080];
	v38 =	vsub.f32 v18, v38  }
0x9c: {  	v25 =	vadd.f32 v24, v25;
	vm2 =	vlt.f32 v35, v28;
	v27 =	vmax.f32 v26, v30;
	v32 =	vld [tilespmem:s22+$0x1090]  }
0x9d: {  	v24 =	vld [tilespmem:s22+$0x890];
	v44 =	vsub.f32 v18, v45;
	v26 =	vmul.f32 v38, v38;
	v45 =	vsel vm2, v35, v28  }
0x9e: {  	v42 =	vsub.f32 v19, v42;
	v35 =	vld [tilespmem:s22+$0xC80];
	v28 =	vsub.f32 v18, v29;
	v29 =	vmax.f32 v34, v30  }
0x9f: {  	v46 =	vand.u32 $0x7FFFFFFF, v37;
	v38 =	vand.u32 $0x7FFFFFFF, v38;
	v30 =	vld [tilespmem:s22+$0x880];
	v34 =	vand.u32 $0x7FFFFFFF, v44;
	[tilespmem:s20+$0x1A30] =	vst v29;
	s20 =	smov.u32 s22  }
0xa0: {  	vm3 =	vlt.f32 v46, $3.333333510e-02;
	v47 =	vld [tilespmem:s20+$0x1480];
	vm4 =	vlt.f32 v34, $3.333333510e-02;
	v34 =	vmul.f32 v28, v28  }
0xa1: {  	v29 =	vmul.f32 v44, v44;
	v44 =	vsel vm2, v21, v39;
	v21 =	vmovc v43;
	v46 =	vld [tilespmem:s20+$0x1490];
	v32 =	vsub.f32 v18, v32  }
0xa2: {  	v42 =	vmul.f32 v42, v42;
	vm2 =	vlt.f32 v38, $3.333333510e-02;
	v39 =	vsub.f32 v18, v24;
	v28 =	vld [tilespmem:s20+$0x1A10]  }
0xa3: {  	vm2 =	vmand vm2, vm3;
	v24 =	vsub.f32 v18, v40;
	v38 =	vsub.f32 v19, v35  }
0xa4: {  	v36 =	vsub.f32 v18, v36;
	v40 =	vsub.f32 v19, v41;
	v32 =	vmul.f32 v32, v32  }
0xa5: {  	v35 =	vmul.f32 v37, v37;
	v30 =	vsub.f32 v18, v30;
	v41 =	vand.u32 $0x7FFFFFFF, v38  }
0xa6: {  	v36 =	vmul.f32 v36, v36;
	v37 =	vmul.f32 v38, v38;
	v38 =	vsub.f32 v19, v46  }
0xa7: {  	v43 =	vmul.f32 v30, v30;
	v46 =	vsub.f32 v19, v47;
	v47 =	vand.u32 $0x7FFFFFFF, v40;
	v48 =	vld [tilespmem:s20+$0xCA0]  }
0xa8: {  	v49 =	vand.u32 $0x7FFFFFFF, v30;
	vm3 =	vlt.f32 v41, $3.333333510e-02;
	v41 =	vmul.f32 v40, v40  }
0xa9: {  	vm5 =	vlt.f32 v47, $3.333333510e-02;
	v37 =	vadd.f32 v37, v43;
	v38 =	vmul.f32 v38, v38  }
0xaa: {  	v30 =	vadd.f32 v42, v34;
	v40 =	vmul.f32 v46, v46;
	v43 =	vmul.f32 v39, v39  }
0xab: {  	v34 =	vand.u32 $0x7FFFFFFF, v39;
	vm6 =	vlt.f32 v37, v45;
	v32 =	vadd.f32 v38, v32  }
0xac: {  	vm7 =	vlt.f32 v49, $3.333333510e-02;
	v39 =	vsel vm6, v37, v45;
	v37 =	vsub.f32 v19, v48  }
.Ltmp3:
0xad: {  	vm7 =	vmand vm7, vm3;
	vm3 =	vlt.f32 v34, $3.333333510e-02;
	v36 =	vadd.f32 v40, v36;
	v40 =	vld [tilespmem:s20+$0x1A00];
	(pc) =	sbr.rel @p0 .LBB2_9-.Ltmp3, $4  }
0xae: {  	vm3 =	vmand vm3, vm5;
	v42 =	vadd.f32 v41, v43;
	v34 =	vand.u32 $0x7FFFFFFF, v37  }
0xaf: {  	v33 =	vsel vm6, v33, v44;
	v43 =	vmul.f32 v37, v37;
	vm6 =	vlt.f32 v34, $3.333333510e-02  }
0xb0: {  	v38 =	vnsel vm7, $0x0, v17;
	vm5 =	vlt.f32 v42, v39;
	vm4 =	vmand vm4, vm6  }
0xb1: {  	v41 =	vsel vm5, v31, v33;
	v37 =	vnsel vm7, $0x0, v36;
	v36 =	vnsel vm3, $0x0, v17;
	v34 =	vld [tilespmem:s20+$0x1A30]  }
0xb2: {  	v23 =	vadd.f32 v43, v29  }
0xb3: {  	v43 =	vsel vm5, v42, v39  }
0xb4: {  	v26 =	vadd.f32 v35, v26;
	vm5 =	vlt.f32 v23, v43  }
0xb5: {  	v23 =	vsel vm5, v23, v43  }
0xb6: {  	vm6 =	vlt.f32 v26, v23  }
0xb7: {  	v23 =	vsel vm6, v26, v23  }
0xb8: {  	v26 =	vperm.xlane v23, v10;
	_ =	sdelay $0x1  }
0xb9: {  	v26 =	vmin.f32 v23, v26  }
0xba: {  	v44 =	vperm.xlane v26, v11;
	_ =	sdelay $0x1  }
0xbb: {  	v26 =	vmin.f32 v26, v44  }
0xbc: {  	v29 =	vperm.xlane v26, v13;
	_ =	sdelay $0x1  }
0xbd: {  	v26 =	vmin.f32 v26, v29  }
0xbe: {  	v29 =	vperm.xlane v26, v14;
	_ =	sdelay $0x1  }
0xbf: {  	v22 =	vsel vm5, v22, v41;
	v26 =	vmin.f32 v26, v29  }
0xc0: {  	v21 =	vsel vm6, v21, v22;
	vm15 =	veq.f32 v23, v26  }
0xc1: {  	v21 =	vnsel vm15, $0x4E6E6B28, v21  }
0xc2: {  	v45 =	vperm.xlane v21, v10;
	_ =	sdelay $0x1  }
0xc3: {  	v21 =	vmin.f32 v21, v45  }
0xc4: {  	v22 =	vperm.xlane v21, v11;
	_ =	sdelay $0x1  }
0xc5: {  	v21 =	vmin.f32 v21, v22  }
0xc6: {  	v22 =	vperm.xlane v21, v13;
	_ =	sdelay $0x1  }
0xc7: {  	v21 =	vmin.f32 v21, v22  }
0xc8: {  	v22 =	vperm.xlane v21, v14;
	_ =	sdelay $0x1  }
0xc9: {  	v21 =	vmin.f32 v21, v22  }
0xca: {  	(v2sf) =	vpush v21, $0x0;
	_ =	sdelay $0xe  }
0xcb: {  	s21 =	spop (v2sf)  }
0xcc: {  	s21 =	scvt.f32.s32 s21;
	_ =	sdelay $0x1  }
0xcd: {  	s22 =	sshra.s32 s21, $0x1F  }
0xce: {  	s22 =	sshrl.u32 s22, $0x1C  }
0xcf: {  	s22 =	sadd.s32 s22, s21  }
0xd0: {  	v46 =	vld [tilespmem:s20+$0x1A20];
	s23 =	sand.u32 $0xFFFFFFF0, s22  }
0xd1: {  	p0 =	slt.s32 s21, $0x1;
	p1 =	sne.s32 s21, s23  }
0xd2: {  	v47 =	vmax.f32 v40, v38;
	v48 =	vmax.f32 v27, v38;
	v49 =	vnsel vm4, $0x0, v17;
	p0 =	por !p0, !p1  }
0xd3: {  	v50 =	vmax.f32 v28, v36;
	v51 =	vnsel vm2, $0x0, v17;
	[tilespmem:s20+$0x1A00] =	vst v47;
	v23 =	vmax.f32 v48, v36;
	s23 =	simm.s32 $0x1;
	p0 =	por !p0, !p0  }
0xd4: {  	[tilespmem:s20+$0x1A10] =	vst v50;
	v53 =	vmax.f32 v34, v51;
	v22 =	vmax.f32 v23, v49;
	s22 =	sshrl.u32 s22, $0x4;
	s23 =	simm.s32 @!p0 $0x0  }
0xd5: {  	[tilespmem:s20+$0x1A30] =	vst v53;
	v21 =	vmax.f32 v46, v49;
	v52 =	vmax.f32 v22, v51;
	s22 =	ssub.s32 s22, s23  }
0xd6: {  	[tilespmem:s20+$0x1A20] =	vst v21;
	v54 =	vperm.xlane v52, v10;
	s31 =	sshll.u32 s22, $0x4  }
0xd7: {  	v55 =	vld [tilespmem:s31+$0x1080]  }
0xd8: {  	v21 =	vmax.f32 v52, v54;
	v56 =	vld [tilespmem:s31+$0x1480]  }
0xd9: {  	v57 =	vperm.xlane v21, v11;
	_ =	sdelay $0x1  }
0xda: {  	v21 =	vmax.f32 v21, v57;
	s21 =	sand.u32 $0xF, s21  }
0xdb: {  	v26 =	vperm.xlane v21, v13;
	v58 =	vmov s21  }
0xdc: {  	v23 =	vperm.xlane v55, v58;
	v22 =	vperm.xlane v56, v58  }
0xdd: {  	v24 =	vmul.f32 v24, v24;
	v25 =	vadd.f32 v37, v25;
	v59 =	vnsel vm3, $0x0, v32  }
0xde: {  	v21 =	vmax.f32 v21, v26;
	v18 =	vsub.f32 v18, v23;
	v19 =	vsub.f32 v19, v22  }
0xdf: {  	v60 =	vnsel vm4, $0x0, v30;
	v61 =	vadd.f32 v59, v25;
	v62 =	vperm.xlane v21, v14  }
0xe0: {  	v20 =	vadd.f32 v20, v24;
	v18 =	vmul.f32 v18, v18;
	v19 =	vmul.f32 v19, v19  }
0xe1: {  	v21 =	vmax.f32 v21, v62;
	v22 =	vadd.f32 v60, v61  }
0xe2: {  	s19 =	sadd.s32 $0x1, s19;
	v20 =	vnsel vm2, $0x0, v20;
	v63 =	vld [tilespmem:s31+$0x1A00];
	v18 =	vadd.f32 v19, v18;
	v19 =	vsub.f32 $1.000000000e+00, v21  }
0xe3: {  	p0 =	sne.s32 s19, $0x10;
	v20 =	vadd.f32 v20, v22  }
.Ltmp4:
0xe4: {  	vm2 =	vgt.f32 v21, $5.000000000e-01;
	v18 =	vnsel vm1, $0x0, v18;
	v19 =	vmul.f32 v19, v17;
	(pc) =	sbr.rel @p0 .LBB2_8-.Ltmp4, $4  }
0xe5: {  	v18 =	vsel vm2, v20, v18;
	vm2 =	veq.s32 v58, v0  }
0xe6: {  	v17 =	vmul.f32 v18, v17;
	v18 =	vnsel vm2, $0x0, v19  }
0xe7: {  	v18 =	vmax.f32 v63, v18  }
0xe8: {  	v16 =	vadd.f32 v17, v16;
	[tilespmem:s31+$0x1A00] =	vst v18  }
0xe9: {  	_ = 	snop  }
0xea: {  	v15 =	vperm.xlane v16, v10;
	_ =	sdelay $0x1  }
0xeb: {  	v15 =	vadd.f32 v15, v16;
	_ =	sdelay $0x1  }
0xec: {  	v16 =	vperm.xlane v15, v5;
	_ =	sdelay $0x1  }
0xed: {  	v15 =	vadd.f32 v16, v15;
	_ =	sdelay $0x1  }
0xee: {  	v16 =	vperm.xlane v15, v6;
	_ =	sdelay $0x1  }
0xef: {  	v15 =	vadd.f32 v16, v15;
	_ =	sdelay $0x1  }
0xf0: {  	v16 =	vperm.xlane v15, v7;
	_ =	sdelay $0x1  }
0xf1: {  	v15 =	vadd.f32 v16, v15;
	_ =	sdelay $0x1  }
0xf2: {  	v15 =	vmul.f32 $5.000000000e-01, v15;
	_ =	sdelay $0x1  }
0xf3: {  	v15 =	vnsel vm1, $0x0, v15  }
0xf4: {  	[tilespmem:$0x1E00] =	vst v15  }
0xf5: {  	[hbm4b:s9+s1] =	stream.linear.scatter [tilespmem:s15], [sflag:$0x1], $0x80, $0x38;
	[tilespmem:$0x1E80] =	vst v63  }
0xf6: {  	s18 =	sadd.s32 $0x1, s18;
	_ =	swait.ge [sflag:s3], $0x80  }
0xf7: {  	p0 =	sne.s32 s18, s11;
	[sflag:s3] =	ssyncset.done $0x0  }
.Ltmp5:
0xf8: {  	[sflag:s3] =	ssyncadd.s32 $0xFFFFFF80;
	(pc) =	sbr.rel @p0 .LBB2_1-.Ltmp5, $4  }
0xf9: {  	[hbm4b:s10+s12] =	stream.strided.scatter [tilespmem:s17], [sflag:$0x1], $0x400, s16, s12, $0x38;
	[tilespmem:$0x1E80] =	vst v63  }
0xfa: {  	_ =	swait.ge [sflag:s3], $0x400  }
0xfb: {  	[sflag:s3] =	ssyncset.done $0x0  }
0xfc: {  	[sflag:s3] =	ssyncadd.s32 $0xFFFFFC00  }
0xfd: {  	_ =	sfence.sel $0x180000  }
0xfe: {  	[bflag:$0x0] =	sbarrier.arrive $0xFFFF  }
0xff: {  	p0 =	sne.s32 s2, $0x0;
	_ =	strace $0x90000047  }
0x100: {  	s0 =	sadd.s32 @!p0 $0x100000, s0;
	[bflag:$0x2] =	sbarrier.arrive $0xFFFF  }
0x101: {  	[sflag:s0] =	ssyncadd.tile.s32 @!p0 $0x1;
	_ =	shalt  }
.Lfunc_end2:
_tile_overlayer_lowered:
.L_overlay_start_2:
0x102: {  	(tag) =	ssettag $0x2  }
0x103: {  	s0 =	rddreg [dreg:$0x0];
	s2 =	stileid.u32  }
0x104: {  	s1 =	rddreg [dreg:$0x1];
	p0 =	sne.s32 s2, $0x0  }
0x105: {  	s3 =	rddreg [dreg:$0x2];
	[bflag:$0x3] =	sbarrier.arrive $0xFFFF;
	s2 =	simm.s32 @!p0 $0x1C01  }
0x106: {  	[timem:s3], [sflag:s2] =	dma.local @!p0 [hbm:s0], s1  }
0x107: {  	s0 =	simm.s32 @!p0 $0x1  }
0x108: {  	_ =	swait.ge @!p0 [sflag:s0], s1  }
0x109: {  	s1 =	ssub.s32 @!p0 $0x0, s1;
	[sflag:s0] =	ssyncset.done @!p0 $0x0  }
0x10a: {  	[sflag:s0] =	ssyncadd.s32 @!p0 s1  }
0x10b: {  	[bflag:$0x3] =	sbarrier.arrive $0xFFFF  }
0x10c: {  	_ =	shalt  }

</sc_bundles>
